<compile_context>
chip_gen: v7x
topology: tpu7x:2x2x1
jax: 0.10.2.dev20260603
libtpu: 0.0.44.dev20260713+nightly
codegen_flags: <defaults>
</compile_context>

<pallas_src>
import functools

import jax
import jax.numpy as jnp
from jax import lax
from jax.experimental import pallas as pl
from jax.experimental.pallas import tpu as pltpu
from jax.experimental.pallas import tpu_sc as plsc

VOCAB = 1000000
D_MODEL = 128
CUT1 = 20000
CUT2 = 200000
EMB_SCALE = float(D_MODEL) ** 0.5

N_TOKENS = 1024 * 200
NW = 32
BW = N_TOKENS // NW
G = 128
NCH = BW // G
VPW = BW // 16
TRASH = N_TOKENS

TC_BLK = 4096

_WIDTHS = (128, 32, 8)


def _sc_route_gather_fn():
    mesh = plsc.VectorSubcoreMesh(core_axis_name="c", subcore_axis_name="s")

    scratch = [pltpu.VMEM((BW,), jnp.int32)]
    for _ in range(3):
        scratch += [
            pltpu.VMEM((NCH, G), jnp.int32),
            pltpu.VMEM((NCH, G), jnp.int32),
        ]
    for w in _WIDTHS:
        scratch += [
            pltpu.VMEM((G, w), jnp.float32),
            pltpu.VMEM((G, w), jnp.float32),
            pltpu.SemaphoreType.DMA,
            pltpu.SemaphoreType.DMA,
        ]

    @functools.partial(
        pl.kernel,
        out_type=(
            jax.ShapeDtypeStruct((N_TOKENS + 8, 128), jnp.float32),
            jax.ShapeDtypeStruct((N_TOKENS + 8, 32), jnp.float32),
            jax.ShapeDtypeStruct((N_TOKENS + 8, 8), jnp.float32),
        ),
        mesh=mesh,
        compiler_params=pltpu.CompilerParams(use_tc_tiling_on_sc=False, needs_layout_passes=False),
        scratch_types=scratch,
    )
    def sc_fn(ids_hbm, t0_hbm, t1_hbm, t2_hbm, g0_hbm, g1_hbm, g2_hbm,
              ids_v,
              idx0_v, pos0_v, idx1_v, pos1_v, idx2_v, pos2_v,
              b0a, b0b, s0a, s0b, b1a, b1b, s1a, s1b, b2a, b2b, s2a, s2b):
        wid = lax.axis_index("s") * 2 + lax.axis_index("c")
        base = wid * BW
        idq = BW // 4
        ld = []
        for q, sem in enumerate((s0a, s0b, s1a, s1b)):
            ld.append(pltpu.async_copy(
                ids_hbm.at[pl.ds(base + q * idq, idq)],
                ids_v.at[pl.ds(q * idq, idq)], sem))
        for c in ld:
            c.wait()

        idx_refs = (idx0_v, idx1_v, idx2_v)
        pos_refs = (pos0_v, pos1_v, pos2_v)

        zeros = jnp.zeros((16,), jnp.int32)
        trash = jnp.full((16,), TRASH, jnp.int32)

        def init_body(i, _):
            r = i >> 3
            col = (i & 7) * 16
            for c in range(3):
                idx_refs[c][r, pl.ds(col, 16)] = zeros
                pos_refs[c][r, pl.ds(col, 16)] = trash
            return 0

        lax.fori_loop(0, VPW, init_body, 0, unroll=4)

        lanes = lax.iota(jnp.int32, 16)

        def route_body(i, carry):
            n0, n1, n2 = carry
            v = ids_v[pl.ds(i * 16, 16)]
            pos = (base + i * 16) + lanes
            m0 = v < CUT1
            m2 = v >= CUT2
            m1 = (v >= CUT1) & (v < CUT2)
            outs = []
            for c, (m, loc, n) in enumerate((
                    (m0, v, n0),
                    (m1, v - CUT1, n1),
                    (m2, v - CUT2, n2))):
                mc = m.astype(jnp.int32)
                tgt = n + plsc.cumsum(mc) - mc
                row = lax.shift_right_logical(tgt, 7)
                col = lax.bitwise_and(tgt, 127)
                plsc.store_scatter(idx_refs[c], [row, col], loc, mask=m)
                plsc.store_scatter(pos_refs[c], [row, col], pos, mask=m)
                outs.append(n + plsc.all_reduce_population_count(m))
            return tuple(outs)

        zero_v = jnp.zeros((16,), jnp.int32)
        n0_v, n1_v, n2_v = lax.fori_loop(
            0, VPW, route_body, (zero_v, zero_v, zero_v), unroll=2)
        n0 = jnp.max(n0_v)
        n1 = jnp.max(n1_v)
        n2 = jnp.max(n2_v)

        for t_hbm, g_hbm, idx_r, pos_r, bufs, sems, n in (
                (t0_hbm, g0_hbm, idx0_v, pos0_v, (b0a, b0b), (s0a, s0b), n0),
                (t1_hbm, g1_hbm, idx1_v, pos1_v, (b1a, b1b), (s1a, s1b), n1),
                (t2_hbm, g2_hbm, idx2_v, pos2_v, (b2a, b2b), (s2a, s2b), n2)):
            k = lax.shift_right_logical(n + (G - 1), 7)

            def start(j, b, t_hbm=t_hbm, idx_r=idx_r, bufs=bufs, sems=sems):
                pltpu.async_copy(t_hbm.at[idx_r.at[j]], bufs[b], sems[b])

            def drain_scatter(j, b, t_hbm=t_hbm, g_hbm=g_hbm, idx_r=idx_r,
                              pos_r=pos_r, bufs=bufs, sems=sems):
                pltpu.make_async_copy(
                    t_hbm.at[idx_r.at[0]], bufs[b], sems[b]).wait()
                pltpu.sync_copy(bufs[b], g_hbm.at[pos_r.at[j]])

            @pl.when(k > 0)
            def _():
                start(0, 0)

            @pl.when(k > 1)
            def _():
                start(1, 1)

            def pair_body(jo, _, k=k, start=start, drain_scatter=drain_scatter):
                j = jo * 2

                @pl.when(j < k)
                def _():
                    drain_scatter(j, 0)

                    @pl.when(j + 2 < k)
                    def _():
                        start(j + 2, 0)

                @pl.when(j + 1 < k)
                def _():
                    drain_scatter(j + 1, 1)

                    @pl.when(j + 3 < k)
                    def _():
                        start(j + 3, 1)

                return 0

            lax.fori_loop(0, lax.shift_right_logical(k + 1, 1), pair_body, 0)

    return sc_fn


_SC_CACHE = {}


def _sc_route_gather(ids_flat, table0, table1, table2):
    if "fn" not in _SC_CACHE:
        _SC_CACHE["fn"] = _sc_route_gather_fn()
    return _SC_CACHE["fn"](ids_flat, table0, table1, table2)


def _tc_body(ids_ref, g0_ref, g1_ref, g2_ref, p0_ref, p1_ref, p2_ref, out_ref):
    ids = ids_ref[...]
    dn = (((1,), (1,)), ((), ()))
    o0 = lax.dot_general(g0_ref[...], p0_ref[...], dn,
                         preferred_element_type=jnp.float32)
    o1 = lax.dot_general(g1_ref[...], p1_ref[...], dn,
                         preferred_element_type=jnp.float32)
    o2 = lax.dot_general(g2_ref[...], p2_ref[...], dn,
                         preferred_element_type=jnp.float32)
    m0 = ids < CUT1
    m1 = ids < CUT2
    out = jnp.where(m0, o0, jnp.where(m1, o1, o2))
    out_ref[...] = out * EMB_SCALE


def _tc_combine(ids_col, g0, g1, g2, proj0, proj1, proj2):
    grid = (N_TOKENS // TC_BLK,)
    return pl.pallas_call(
        _tc_body,
        grid=grid,
        in_specs=[
            pl.BlockSpec((TC_BLK, 1), lambda i: (i, 0)),
            pl.BlockSpec((TC_BLK, 128), lambda i: (i, 0)),
            pl.BlockSpec((TC_BLK, 32), lambda i: (i, 0)),
            pl.BlockSpec((TC_BLK, 8), lambda i: (i, 0)),
            pl.BlockSpec((128, 128), lambda i: (0, 0)),
            pl.BlockSpec((128, 32), lambda i: (0, 0)),
            pl.BlockSpec((128, 8), lambda i: (0, 0)),
        ],
        out_specs=pl.BlockSpec((TC_BLK, D_MODEL), lambda i: (i, 0)),
        out_shape=jax.ShapeDtypeStruct((N_TOKENS, D_MODEL), jnp.float32),
    )(ids_col, g0, g1, g2, proj0, proj1, proj2)


def kernel(input_ids, table0, table1, table2, proj0, proj1, proj2):
    ids_flat = input_ids.reshape(-1)
    g0, g1, g2 = _sc_route_gather(ids_flat, table0, table1, table2)
    out = _tc_combine(ids_flat.reshape(-1, 1), g0, g1, g2, proj0, proj1, proj2)
    return out.reshape(input_ids.shape + (D_MODEL,))

# --- scband reference (transcript-rebuilt; emitter-appended) ---
"""Pipeline reference for scband-s4-embedding-19877108646485 (READ-ONLY COPY).

The authoritative reference and input builder live on the scoring server;
editing this copy changes nothing except your own understanding.
"""

import jax, jax.numpy as jnp
import numpy as np

VOCAB = 1000000
D_EMBED = 128
D_MODEL = 128
DIV_VAL = 4
CUTOFF_ENDS = [0, 20000, 200000, 1000000]
EMB_SCALE = D_MODEL ** 0.5


def setup_inputs(seed: int = 0) -> dict:
    key = jax.random.key(seed)
    k_ids, k0, k1, k2, kp0, kp1, kp2 = jax.random.split(key, 7)
    input_ids = jax.random.randint(k_ids, (1024, 200), 0, VOCAB, dtype=jnp.int64 if jax.config.jax_enable_x64 else jnp.int32).astype(jnp.int32)
    # adaptive embedding tables: d_emb_i = D_EMBED // DIV_VAL**i
    table0 = jax.random.normal(k0, (CUTOFF_ENDS[1] - CUTOFF_ENDS[0], 128), dtype=jnp.float32) * 0.02
    table1 = jax.random.normal(k1, (CUTOFF_ENDS[2] - CUTOFF_ENDS[1], 32), dtype=jnp.float32) * 0.02
    table2 = jax.random.normal(k2, (CUTOFF_ENDS[3] - CUTOFF_ENDS[2], 8), dtype=jnp.float32) * 0.02
    proj0 = jax.random.normal(kp0, (D_MODEL, 128), dtype=jnp.float32) * 0.02
    proj1 = jax.random.normal(kp1, (D_MODEL, 32), dtype=jnp.float32) * 0.02
    proj2 = jax.random.normal(kp2, (D_MODEL, 8), dtype=jnp.float32) * 0.02
    return {"input_ids": input_ids, "table0": table0, "table1": table1, "table2": table2,
            "proj0": proj0, "proj1": proj1, "proj2": proj2}


def reference(input_ids, table0, table1, table2, proj0, proj1, proj2):
    # Adaptive (div_val > 1) embedding: each token falls into exactly one vocab
    # cluster; lookup in the cluster table, project to d_model, reassemble.
    inp_flat = input_ids.reshape(-1)
    tables = [table0, table1, table2]
    projs = [proj0, proj1, proj2]
    out = jnp.zeros((inp_flat.shape[0], D_MODEL), dtype=jnp.float32)
    for i in range(3):
        l_idx, r_idx = CUTOFF_ENDS[i], CUTOFF_ENDS[i + 1]
        mask_i = (inp_flat >= l_idx) & (inp_flat < r_idx)
        idx_i = jnp.clip(inp_flat - l_idx, 0, tables[i].shape[0] - 1)
        emb_i = jnp.take(tables[i], idx_i, axis=0)
        proj_emb_i = emb_i @ projs[i].T  # nn.functional.linear
        out = out + jnp.where(mask_i[:, None], proj_emb_i, 0.0)
    embed = out.reshape(input_ids.shape + (D_MODEL,))
    embed = embed * EMB_SCALE
    return embed

if __name__ == "__main__":
    import jax
    _d = setup_inputs()
    print(jax.jit(kernel)(*tuple(_d.values())))

</pallas_src>

<mosaic_0001>
#map = affine_map<(d0, d1) -> (0)>
#map1 = affine_map<(d0, d1) -> (0, 0)>
module attributes {stable_mosaic.version = 14 : i64} {
  func.func @sc_fn(%arg0: i32, %arg1: i32, %arg2: memref<204800xi32, #tpu.memory_space<hbm>>, %arg3: memref<20000x128xf32, #tpu.memory_space<hbm>>, %arg4: memref<180000x32xf32, #tpu.memory_space<hbm>>, %arg5: memref<800000x8xf32, #tpu.memory_space<hbm>>, %arg6: memref<204808x128xf32, #tpu.memory_space<hbm>>, %arg7: memref<204808x32xf32, #tpu.memory_space<hbm>>, %arg8: memref<204808x8xf32, #tpu.memory_space<hbm>>, %arg9: memref<6400xi32, #tpu.memory_space<vmem>>, %arg10: memref<50x128xi32, #tpu.memory_space<vmem>>, %arg11: memref<50x128xi32, #tpu.memory_space<vmem>>, %arg12: memref<50x128xi32, #tpu.memory_space<vmem>>, %arg13: memref<50x128xi32, #tpu.memory_space<vmem>>, %arg14: memref<50x128xi32, #tpu.memory_space<vmem>>, %arg15: memref<50x128xi32, #tpu.memory_space<vmem>>, %arg16: memref<128x128xf32, #tpu.memory_space<vmem>>, %arg17: memref<128x128xf32, #tpu.memory_space<vmem>>, %arg18: memref<!tpu.dma_semaphore, #tpu.memory_space<semaphore_mem>>, %arg19: memref<!tpu.dma_semaphore, #tpu.memory_space<semaphore_mem>>, %arg20: memref<128x32xf32, #tpu.memory_space<vmem>>, %arg21: memref<128x32xf32, #tpu.memory_space<vmem>>, %arg22: memref<!tpu.dma_semaphore, #tpu.memory_space<semaphore_mem>>, %arg23: memref<!tpu.dma_semaphore, #tpu.memory_space<semaphore_mem>>, %arg24: memref<128x8xf32, #tpu.memory_space<vmem>>, %arg25: memref<128x8xf32, #tpu.memory_space<vmem>>, %arg26: memref<!tpu.dma_semaphore, #tpu.memory_space<semaphore_mem>>, %arg27: memref<!tpu.dma_semaphore, #tpu.memory_space<semaphore_mem>>) attributes {dimension_semantics = [#tpu.dimension_semantics<core_parallel>, #tpu.dimension_semantics<subcore_parallel>], iteration_bounds = array<i64: 2, 16>, scalar_prefetch = 0 : i64, scratch_operands = 19 : i64, tpu.core_type = #tpu.core_type<sc_vector_subcore>, window_params = [{transform_indices = #map}, {transform_indices = #map1}, {transform_indices = #map1}, {transform_indices = #map1}, {transform_indices = #map1}, {transform_indices = #map1}, {transform_indices = #map1}]} {
    %mul3A = arith.constant 2 : i32
    %mul3A_0 = arith.muli %arg1, %mul3A : i32
    %add3A = arith.addi %mul3A_0, %arg0 : i32
    %mul3A_1 = arith.constant 6400 : i32
    %mul3A_2 = arith.muli %add3A, %mul3A_1 : i32
    %add3A_3 = arith.constant 0 : i32
    %add3A_4 = arith.addi %mul3A_2, %add3A_3 : i32
    %dma_start3A = arith.constant 0 : i32
    %dma_start3A_5 = tpu.memref_slice %arg9[%dma_start3A] : memref<6400xi32, #tpu.memory_space<vmem>> -> memref<1600xi32, #tpu.memory_space<vmem>>
    %dma_start3A_6 = tpu.memref_slice %arg2[%add3A_4] : memref<204800xi32, #tpu.memory_space<hbm>> -> memref<1600xi32, #tpu.memory_space<hbm>>
    %dma_start3A_7 = arith.constant 0 : i32
    %dma_start3A_8 = tpu.memref_slice %arg9[%dma_start3A_7] : memref<6400xi32, #tpu.memory_space<vmem>> -> memref<1600xi32, #tpu.memory_space<vmem>>
    %dma_start3A_9 = tpu.memref_slice %arg2[%add3A_4] : memref<204800xi32, #tpu.memory_space<hbm>> -> memref<1600xi32, #tpu.memory_space<hbm>>
    tpu.enqueue_dma source(%dma_start3A_9 : memref<1600xi32, #tpu.memory_space<hbm>>) target(%dma_start3A_8 : memref<1600xi32, #tpu.memory_space<vmem>>) target_semaphore(%arg18 : memref<!tpu.dma_semaphore, #tpu.memory_space<semaphore_mem>>)
    %add3A_10 = arith.constant 1600 : i32
    %add3A_11 = arith.addi %mul3A_2, %add3A_10 : i32
    %dma_start3A_12 = arith.constant 1600 : i32
    %dma_start3A_13 = tpu.memref_slice %arg9[%dma_start3A_12] : memref<6400xi32, #tpu.memory_space<vmem>> -> memref<1600xi32, #tpu.memory_space<vmem>>
    %dma_start3A_14 = tpu.memref_slice %arg2[%add3A_11] : memref<204800xi32, #tpu.memory_space<hbm>> -> memref<1600xi32, #tpu.memory_space<hbm>>
    %dma_start3A_15 = arith.constant 1600 : i32
    %dma_start3A_16 = tpu.memref_slice %arg9[%dma_start3A_15] : memref<6400xi32, #tpu.memory_space<vmem>> -> memref<1600xi32, #tpu.memory_space<vmem>>
    %dma_start3A_17 = tpu.memref_slice %arg2[%add3A_11] : memref<204800xi32, #tpu.memory_space<hbm>> -> memref<1600xi32, #tpu.memory_space<hbm>>
    tpu.enqueue_dma source(%dma_start3A_17 : memref<1600xi32, #tpu.memory_space<hbm>>) target(%dma_start3A_16 : memref<1600xi32, #tpu.memory_space<vmem>>) target_semaphore(%arg19 : memref<!tpu.dma_semaphore, #tpu.memory_space<semaphore_mem>>)
    %add3A_18 = arith.constant 3200 : i32
    %add3A_19 = arith.addi %mul3A_2, %add3A_18 : i32
    %dma_start3A_20 = arith.constant 3200 : i32
    %dma_start3A_21 = tpu.memref_slice %arg9[%dma_start3A_20] : memref<6400xi32, #tpu.memory_space<vmem>> -> memref<1600xi32, #tpu.memory_space<vmem>>
    %dma_start3A_22 = tpu.memref_slice %arg2[%add3A_19] : memref<204800xi32, #tpu.memory_space<hbm>> -> memref<1600xi32, #tpu.memory_space<hbm>>
    %dma_start3A_23 = arith.constant 3200 : i32
    %dma_start3A_24 = tpu.memref_slice %arg9[%dma_start3A_23] : memref<6400xi32, #tpu.memory_space<vmem>> -> memref<1600xi32, #tpu.memory_space<vmem>>
    %dma_start3A_25 = tpu.memref_slice %arg2[%add3A_19] : memref<204800xi32, #tpu.memory_space<hbm>> -> memref<1600xi32, #tpu.memory_space<hbm>>
    tpu.enqueue_dma source(%dma_start3A_25 : memref<1600xi32, #tpu.memory_space<hbm>>) target(%dma_start3A_24 : memref<1600xi32, #tpu.memory_space<vmem>>) target_semaphore(%arg22 : memref<!tpu.dma_semaphore, #tpu.memory_space<semaphore_mem>>)
    %add3A_26 = arith.constant 4800 : i32
    %add3A_27 = arith.addi %mul3A_2, %add3A_26 : i32
    %dma_start3A_28 = arith.constant 4800 : i32
    %dma_start3A_29 = tpu.memref_slice %arg9[%dma_start3A_28] : memref<6400xi32, #tpu.memory_space<vmem>> -> memref<1600xi32, #tpu.memory_space<vmem>>
    %dma_start3A_30 = tpu.memref_slice %arg2[%add3A_27] : memref<204800xi32, #tpu.memory_space<hbm>> -> memref<1600xi32, #tpu.memory_space<hbm>>
    %dma_start3A_31 = arith.constant 4800 : i32
    %dma_start3A_32 = tpu.memref_slice %arg9[%dma_start3A_31] : memref<6400xi32, #tpu.memory_space<vmem>> -> memref<1600xi32, #tpu.memory_space<vmem>>
    %dma_start3A_33 = tpu.memref_slice %arg2[%add3A_27] : memref<204800xi32, #tpu.memory_space<hbm>> -> memref<1600xi32, #tpu.memory_space<hbm>>
    tpu.enqueue_dma source(%dma_start3A_33 : memref<1600xi32, #tpu.memory_space<hbm>>) target(%dma_start3A_32 : memref<1600xi32, #tpu.memory_space<vmem>>) target_semaphore(%arg23 : memref<!tpu.dma_semaphore, #tpu.memory_space<semaphore_mem>>)
    %dma_wait3A = arith.constant 0 : i32
    %dma_wait3A_34 = tpu.memref_slice %arg9[%dma_wait3A] : memref<6400xi32, #tpu.memory_space<vmem>> -> memref<1600xi32, #tpu.memory_space<vmem>>
    %dma_wait3A_35 = tpu.memref_slice %arg2[%add3A_4] : memref<204800xi32, #tpu.memory_space<hbm>> -> memref<1600xi32, #tpu.memory_space<hbm>>
    %dma_wait3A_36 = arith.constant 0 : i32
    %dma_wait3A_37 = tpu.memref_slice %arg9[%dma_wait3A_36] : memref<6400xi32, #tpu.memory_space<vmem>> -> memref<1600xi32, #tpu.memory_space<vmem>>
    %dma_wait3A_38 = tpu.memref_slice %arg2[%add3A_4] : memref<204800xi32, #tpu.memory_space<hbm>> -> memref<1600xi32, #tpu.memory_space<hbm>>
    tpu.wait_dma2 semaphore(%arg18 : memref<!tpu.dma_semaphore, #tpu.memory_space<semaphore_mem>>) src(%dma_wait3A_38 : memref<1600xi32, #tpu.memory_space<hbm>>) dst(%dma_wait3A_37 : memref<1600xi32, #tpu.memory_space<vmem>>)
    %dma_wait3A_39 = arith.constant 1600 : i32
    %dma_wait3A_40 = tpu.memref_slice %arg9[%dma_wait3A_39] : memref<6400xi32, #tpu.memory_space<vmem>> -> memref<1600xi32, #tpu.memory_space<vmem>>
    %dma_wait3A_41 = tpu.memref_slice %arg2[%add3A_11] : memref<204800xi32, #tpu.memory_space<hbm>> -> memref<1600xi32, #tpu.memory_space<hbm>>
    %dma_wait3A_42 = arith.constant 1600 : i32
    %dma_wait3A_43 = tpu.memref_slice %arg9[%dma_wait3A_42] : memref<6400xi32, #tpu.memory_space<vmem>> -> memref<1600xi32, #tpu.memory_space<vmem>>
    %dma_wait3A_44 = tpu.memref_slice %arg2[%add3A_11] : memref<204800xi32, #tpu.memory_space<hbm>> -> memref<1600xi32, #tpu.memory_space<hbm>>
    tpu.wait_dma2 semaphore(%arg19 : memref<!tpu.dma_semaphore, #tpu.memory_space<semaphore_mem>>) src(%dma_wait3A_44 : memref<1600xi32, #tpu.memory_space<hbm>>) dst(%dma_wait3A_43 : memref<1600xi32, #tpu.memory_space<vmem>>)
    %dma_wait3A_45 = arith.constant 3200 : i32
    %dma_wait3A_46 = tpu.memref_slice %arg9[%dma_wait3A_45] : memref<6400xi32, #tpu.memory_space<vmem>> -> memref<1600xi32, #tpu.memory_space<vmem>>
    %dma_wait3A_47 = tpu.memref_slice %arg2[%add3A_19] : memref<204800xi32, #tpu.memory_space<hbm>> -> memref<1600xi32, #tpu.memory_space<hbm>>
    %dma_wait3A_48 = arith.constant 3200 : i32
    %dma_wait3A_49 = tpu.memref_slice %arg9[%dma_wait3A_48] : memref<6400xi32, #tpu.memory_space<vmem>> -> memref<1600xi32, #tpu.memory_space<vmem>>
    %dma_wait3A_50 = tpu.memref_slice %arg2[%add3A_19] : memref<204800xi32, #tpu.memory_space<hbm>> -> memref<1600xi32, #tpu.memory_space<hbm>>
    tpu.wait_dma2 semaphore(%arg22 : memref<!tpu.dma_semaphore, #tpu.memory_space<semaphore_mem>>) src(%dma_wait3A_50 : memref<1600xi32, #tpu.memory_space<hbm>>) dst(%dma_wait3A_49 : memref<1600xi32, #tpu.memory_space<vmem>>)
    %dma_wait3A_51 = arith.constant 4800 : i32
    %dma_wait3A_52 = tpu.memref_slice %arg9[%dma_wait3A_51] : memref<6400xi32, #tpu.memory_space<vmem>> -> memref<1600xi32, #tpu.memory_space<vmem>>
    %dma_wait3A_53 = tpu.memref_slice %arg2[%add3A_27] : memref<204800xi32, #tpu.memory_space<hbm>> -> memref<1600xi32, #tpu.memory_space<hbm>>
    %dma_wait3A_54 = arith.constant 4800 : i32
    %dma_wait3A_55 = tpu.memref_slice %arg9[%dma_wait3A_54] : memref<6400xi32, #tpu.memory_space<vmem>> -> memref<1600xi32, #tpu.memory_space<vmem>>
    %dma_wait3A_56 = tpu.memref_slice %arg2[%add3A_27] : memref<204800xi32, #tpu.memory_space<hbm>> -> memref<1600xi32, #tpu.memory_space<hbm>>
    tpu.wait_dma2 semaphore(%arg23 : memref<!tpu.dma_semaphore, #tpu.memory_space<semaphore_mem>>) src(%dma_wait3A_56 : memref<1600xi32, #tpu.memory_space<hbm>>) dst(%dma_wait3A_55 : memref<1600xi32, #tpu.memory_space<vmem>>)
    %broadcast_in_dim3A = arith.constant 0 : i32
    %broadcast_in_dim3A_57 = vector.broadcast %broadcast_in_dim3A : i32 to vector<16xi32>
    %broadcast_in_dim3A_58 = arith.constant 204800 : i32
    %broadcast_in_dim3A_59 = vector.broadcast %broadcast_in_dim3A_58 : i32 to vector<16xi32>
    %scan3A = arith.constant 0 : i32
    %scan3A_60 = arith.constant 0 : i32
    %scan3A_61 = arith.constant 400 : i32
    %scan3A_62 = arith.addi %scan3A_60, %scan3A_61 : i32
    %scan3A_63 = arith.constant 4 : i32
    %scan3A_64 = scf.for %scan3A_182 = %scan3A_60 to %scan3A_62 step %scan3A_63 iter_args(%scan3A_183 = %scan3A) -> (i32)  : i32 {
      %shift_right_arithmetic3A = arith.constant 3 : i32
      %shift_right_arithmetic3A_184 = arith.shrsi %scan3A_182, %shift_right_arithmetic3A : i32
      %and3A = arith.constant 7 : i32
      %and3A_185 = arith.andi %scan3A_182, %and3A : i32
      %mul3A_186 = arith.constant 16 : i32
      %mul3A_187 = arith.muli %and3A_185, %mul3A_186 : i32
      %swap3A = arith.index_cast %shift_right_arithmetic3A_184 : i32 to index
      %swap3A_188 = arith.index_cast %mul3A_187 : i32 to index
      %swap3A_189 = tpu.vector_load %arg10[%swap3A, %swap3A_188] {strides = array<i32>} : memref<50x128xi32, #tpu.memory_space<vmem>>, vector<16xi32>,
      tpu.vector_store %arg10[%swap3A, %swap3A_188], %broadcast_in_dim3A_57 {strides = array<i32>} : memref<50x128xi32, #tpu.memory_space<vmem>>, vector<16xi32>,
      %swap3A_190 = arith.index_cast %shift_right_arithmetic3A_184 : i32 to index
      %swap3A_191 = arith.index_cast %mul3A_187 : i32 to index
      %swap3A_192 = tpu.vector_load %arg11[%swap3A_190, %swap3A_191] {strides = array<i32>} : memref<50x128xi32, #tpu.memory_space<vmem>>, vector<16xi32>,
      tpu.vector_store %arg11[%swap3A_190, %swap3A_191], %broadcast_in_dim3A_59 {strides = array<i32>} : memref<50x128xi32, #tpu.memory_space<vmem>>, vector<16xi32>,
      %swap3A_193 = arith.index_cast %shift_right_arithmetic3A_184 : i32 to index
      %swap3A_194 = arith.index_cast %mul3A_187 : i32 to index
      %swap3A_195 = tpu.vector_load %arg12[%swap3A_193, %swap3A_194] {strides = array<i32>} : memref<50x128xi32, #tpu.memory_space<vmem>>, vector<16xi32>,
      tpu.vector_store %arg12[%swap3A_193, %swap3A_194], %broadcast_in_dim3A_57 {strides = array<i32>} : memref<50x128xi32, #tpu.memory_space<vmem>>, vector<16xi32>,
      %swap3A_196 = arith.index_cast %shift_right_arithmetic3A_184 : i32 to index
      %swap3A_197 = arith.index_cast %mul3A_187 : i32 to index
      %swap3A_198 = tpu.vector_load %arg13[%swap3A_196, %swap3A_197] {strides = array<i32>} : memref<50x128xi32, #tpu.memory_space<vmem>>, vector<16xi32>,
      tpu.vector_store %arg13[%swap3A_196, %swap3A_197], %broadcast_in_dim3A_59 {strides = array<i32>} : memref<50x128xi32, #tpu.memory_space<vmem>>, vector<16xi32>,
      %swap3A_199 = arith.index_cast %shift_right_arithmetic3A_184 : i32 to index
      %swap3A_200 = arith.index_cast %mul3A_187 : i32 to index
      %swap3A_201 = tpu.vector_load %arg14[%swap3A_199, %swap3A_200] {strides = array<i32>} : memref<50x128xi32, #tpu.memory_space<vmem>>, vector<16xi32>,
      tpu.vector_store %arg14[%swap3A_199, %swap3A_200], %broadcast_in_dim3A_57 {strides = array<i32>} : memref<50x128xi32, #tpu.memory_space<vmem>>, vector<16xi32>,
      %swap3A_202 = arith.index_cast %shift_right_arithmetic3A_184 : i32 to index
      %swap3A_203 = arith.index_cast %mul3A_187 : i32 to index
      %swap3A_204 = tpu.vector_load %arg15[%swap3A_202, %swap3A_203] {strides = array<i32>} : memref<50x128xi32, #tpu.memory_space<vmem>>, vector<16xi32>,
      tpu.vector_store %arg15[%swap3A_202, %swap3A_203], %broadcast_in_dim3A_59 {strides = array<i32>} : memref<50x128xi32, #tpu.memory_space<vmem>>, vector<16xi32>,
      %scan3A_205 = arith.constant 0 : i32
      %scan3A_206 = arith.constant 1 : i32
      %scan3A_207 = arith.addi %scan3A_182, %scan3A_206 : i32
      %shift_right_arithmetic3A_208 = arith.constant 3 : i32
      %shift_right_arithmetic3A_209 = arith.shrsi %scan3A_207, %shift_right_arithmetic3A_208 : i32
      %and3A_210 = arith.constant 7 : i32
      %and3A_211 = arith.andi %scan3A_207, %and3A_210 : i32
      %mul3A_212 = arith.constant 16 : i32
      %mul3A_213 = arith.muli %and3A_211, %mul3A_212 : i32
      %swap3A_214 = arith.index_cast %shift_right_arithmetic3A_209 : i32 to index
      %swap3A_215 = arith.index_cast %mul3A_213 : i32 to index
      %swap3A_216 = tpu.vector_load %arg10[%swap3A_214, %swap3A_215] {strides = array<i32>} : memref<50x128xi32, #tpu.memory_space<vmem>>, vector<16xi32>,
      tpu.vector_store %arg10[%swap3A_214, %swap3A_215], %broadcast_in_dim3A_57 {strides = array<i32>} : memref<50x128xi32, #tpu.memory_space<vmem>>, vector<16xi32>,
      %swap3A_217 = arith.index_cast %shift_right_arithmetic3A_209 : i32 to index
      %swap3A_218 = arith.index_cast %mul3A_213 : i32 to index
      %swap3A_219 = tpu.vector_load %arg11[%swap3A_217, %swap3A_218] {strides = array<i32>} : memref<50x128xi32, #tpu.memory_space<vmem>>, vector<16xi32>,
      tpu.vector_store %arg11[%swap3A_217, %swap3A_218], %broadcast_in_dim3A_59 {strides = array<i32>} : memref<50x128xi32, #tpu.memory_space<vmem>>, vector<16xi32>,
      %swap3A_220 = arith.index_cast %shift_right_arithmetic3A_209 : i32 to index
      %swap3A_221 = arith.index_cast %mul3A_213 : i32 to index
      %swap3A_222 = tpu.vector_load %arg12[%swap3A_220, %swap3A_221] {strides = array<i32>} : memref<50x128xi32, #tpu.memory_space<vmem>>, vector<16xi32>,
      tpu.vector_store %arg12[%swap3A_220, %swap3A_221], %broadcast_in_dim3A_57 {strides = array<i32>} : memref<50x128xi32, #tpu.memory_space<vmem>>, vector<16xi32>,
      %swap3A_223 = arith.index_cast %shift_right_arithmetic3A_209 : i32 to index
      %swap3A_224 = arith.index_cast %mul3A_213 : i32 to index
      %swap3A_225 = tpu.vector_load %arg13[%swap3A_223, %swap3A_224] {strides = array<i32>} : memref<50x128xi32, #tpu.memory_space<vmem>>, vector<16xi32>,
      tpu.vector_store %arg13[%swap3A_223, %swap3A_224], %broadcast_in_dim3A_59 {strides = array<i32>} : memref<50x128xi32, #tpu.memory_space<vmem>>, vector<16xi32>,
      %swap3A_226 = arith.index_cast %shift_right_arithmetic3A_209 : i32 to index
      %swap3A_227 = arith.index_cast %mul3A_213 : i32 to index
      %swap3A_228 = tpu.vector_load %arg14[%swap3A_226, %swap3A_227] {strides = array<i32>} : memref<50x128xi32, #tpu.memory_space<vmem>>, vector<16xi32>,
      tpu.vector_store %arg14[%swap3A_226, %swap3A_227], %broadcast_in_dim3A_57 {strides = array<i32>} : memref<50x128xi32, #tpu.memory_space<vmem>>, vector<16xi32>,
      %swap3A_229 = arith.index_cast %shift_right_arithmetic3A_209 : i32 to index
      %swap3A_230 = arith.index_cast %mul3A_213 : i32 to index
      %swap3A_231 = tpu.vector_load %arg15[%swap3A_229, %swap3A_230] {strides = array<i32>} : memref<50x128xi32, #tpu.memory_space<vmem>>, vector<16xi32>,
      tpu.vector_store %arg15[%swap3A_229, %swap3A_230], %broadcast_in_dim3A_59 {strides = array<i32>} : memref<50x128xi32, #tpu.memory_space<vmem>>, vector<16xi32>,
      %scan3A_232 = arith.constant 0 : i32
      %scan3A_233 = arith.constant 2 : i32
      %scan3A_234 = arith.addi %scan3A_182, %scan3A_233 : i32
      %shift_right_arithmetic3A_235 = arith.constant 3 : i32
      %shift_right_arithmetic3A_236 = arith.shrsi %scan3A_234, %shift_right_arithmetic3A_235 : i32
      %and3A_237 = arith.constant 7 : i32
      %and3A_238 = arith.andi %scan3A_234, %and3A_237 : i32
      %mul3A_239 = arith.constant 16 : i32
      %mul3A_240 = arith.muli %and3A_238, %mul3A_239 : i32
      %swap3A_241 = arith.index_cast %shift_right_arithmetic3A_236 : i32 to index
      %swap3A_242 = arith.index_cast %mul3A_240 : i32 to index
      %swap3A_243 = tpu.vector_load %arg10[%swap3A_241, %swap3A_242] {strides = array<i32>} : memref<50x128xi32, #tpu.memory_space<vmem>>, vector<16xi32>,
      tpu.vector_store %arg10[%swap3A_241, %swap3A_242], %broadcast_in_dim3A_57 {strides = array<i32>} : memref<50x128xi32, #tpu.memory_space<vmem>>, vector<16xi32>,
      %swap3A_244 = arith.index_cast %shift_right_arithmetic3A_236 : i32 to index
      %swap3A_245 = arith.index_cast %mul3A_240 : i32 to index
      %swap3A_246 = tpu.vector_load %arg11[%swap3A_244, %swap3A_245] {strides = array<i32>} : memref<50x128xi32, #tpu.memory_space<vmem>>, vector<16xi32>,
      tpu.vector_store %arg11[%swap3A_244, %swap3A_245], %broadcast_in_dim3A_59 {strides = array<i32>} : memref<50x128xi32, #tpu.memory_space<vmem>>, vector<16xi32>,
      %swap3A_247 = arith.index_cast %shift_right_arithmetic3A_236 : i32 to index
      %swap3A_248 = arith.index_cast %mul3A_240 : i32 to index
      %swap3A_249 = tpu.vector_load %arg12[%swap3A_247, %swap3A_248] {strides = array<i32>} : memref<50x128xi32, #tpu.memory_space<vmem>>, vector<16xi32>,
      tpu.vector_store %arg12[%swap3A_247, %swap3A_248], %broadcast_in_dim3A_57 {strides = array<i32>} : memref<50x128xi32, #tpu.memory_space<vmem>>, vector<16xi32>,
      %swap3A_250 = arith.index_cast %shift_right_arithmetic3A_236 : i32 to index
      %swap3A_251 = arith.index_cast %mul3A_240 : i32 to index
      %swap3A_252 = tpu.vector_load %arg13[%swap3A_250, %swap3A_251] {strides = array<i32>} : memref<50x128xi32, #tpu.memory_space<vmem>>, vector<16xi32>,
      tpu.vector_store %arg13[%swap3A_250, %swap3A_251], %broadcast_in_dim3A_59 {strides = array<i32>} : memref<50x128xi32, #tpu.memory_space<vmem>>, vector<16xi32>,
      %swap3A_253 = arith.index_cast %shift_right_arithmetic3A_236 : i32 to index
      %swap3A_254 = arith.index_cast %mul3A_240 : i32 to index
      %swap3A_255 = tpu.vector_load %arg14[%swap3A_253, %swap3A_254] {strides = array<i32>} : memref<50x128xi32, #tpu.memory_space<vmem>>, vector<16xi32>,
      tpu.vector_store %arg14[%swap3A_253, %swap3A_254], %broadcast_in_dim3A_57 {strides = array<i32>} : memref<50x128xi32, #tpu.memory_space<vmem>>, vector<16xi32>,
      %swap3A_256 = arith.index_cast %shift_right_arithmetic3A_236 : i32 to index
      %swap3A_257 = arith.index_cast %mul3A_240 : i32 to index
      %swap3A_258 = tpu.vector_load %arg15[%swap3A_256, %swap3A_257] {strides = array<i32>} : memref<50x128xi32, #tpu.memory_space<vmem>>, vector<16xi32>,
      tpu.vector_store %arg15[%swap3A_256, %swap3A_257], %broadcast_in_dim3A_59 {strides = array<i32>} : memref<50x128xi32, #tpu.memory_space<vmem>>, vector<16xi32>,
      %scan3A_259 = arith.constant 0 : i32
      %scan3A_260 = arith.constant 3 : i32
      %scan3A_261 = arith.addi %scan3A_182, %scan3A_260 : i32
      %shift_right_arithmetic3A_262 = arith.constant 3 : i32
      %shift_right_arithmetic3A_263 = arith.shrsi %scan3A_261, %shift_right_arithmetic3A_262 : i32
      %and3A_264 = arith.constant 7 : i32
      %and3A_265 = arith.andi %scan3A_261, %and3A_264 : i32
      %mul3A_266 = arith.constant 16 : i32
      %mul3A_267 = arith.muli %and3A_265, %mul3A_266 : i32
      %swap3A_268 = arith.index_cast %shift_right_arithmetic3A_263 : i32 to index
      %swap3A_269 = arith.index_cast %mul3A_267 : i32 to index
      %swap3A_270 = tpu.vector_load %arg10[%swap3A_268, %swap3A_269] {strides = array<i32>} : memref<50x128xi32, #tpu.memory_space<vmem>>, vector<16xi32>,
      tpu.vector_store %arg10[%swap3A_268, %swap3A_269], %broadcast_in_dim3A_57 {strides = array<i32>} : memref<50x128xi32, #tpu.memory_space<vmem>>, vector<16xi32>,
      %swap3A_271 = arith.index_cast %shift_right_arithmetic3A_263 : i32 to index
      %swap3A_272 = arith.index_cast %mul3A_267 : i32 to index
      %swap3A_273 = tpu.vector_load %arg11[%swap3A_271, %swap3A_272] {strides = array<i32>} : memref<50x128xi32, #tpu.memory_space<vmem>>, vector<16xi32>,
      tpu.vector_store %arg11[%swap3A_271, %swap3A_272], %broadcast_in_dim3A_59 {strides = array<i32>} : memref<50x128xi32, #tpu.memory_space<vmem>>, vector<16xi32>,
      %swap3A_274 = arith.index_cast %shift_right_arithmetic3A_263 : i32 to index
      %swap3A_275 = arith.index_cast %mul3A_267 : i32 to index
      %swap3A_276 = tpu.vector_load %arg12[%swap3A_274, %swap3A_275] {strides = array<i32>} : memref<50x128xi32, #tpu.memory_space<vmem>>, vector<16xi32>,
      tpu.vector_store %arg12[%swap3A_274, %swap3A_275], %broadcast_in_dim3A_57 {strides = array<i32>} : memref<50x128xi32, #tpu.memory_space<vmem>>, vector<16xi32>,
      %swap3A_277 = arith.index_cast %shift_right_arithmetic3A_263 : i32 to index
      %swap3A_278 = arith.index_cast %mul3A_267 : i32 to index
      %swap3A_279 = tpu.vector_load %arg13[%swap3A_277, %swap3A_278] {strides = array<i32>} : memref<50x128xi32, #tpu.memory_space<vmem>>, vector<16xi32>,
      tpu.vector_store %arg13[%swap3A_277, %swap3A_278], %broadcast_in_dim3A_59 {strides = array<i32>} : memref<50x128xi32, #tpu.memory_space<vmem>>, vector<16xi32>,
      %swap3A_280 = arith.index_cast %shift_right_arithmetic3A_263 : i32 to index
      %swap3A_281 = arith.index_cast %mul3A_267 : i32 to index
      %swap3A_282 = tpu.vector_load %arg14[%swap3A_280, %swap3A_281] {strides = array<i32>} : memref<50x128xi32, #tpu.memory_space<vmem>>, vector<16xi32>,
      tpu.vector_store %arg14[%swap3A_280, %swap3A_281], %broadcast_in_dim3A_57 {strides = array<i32>} : memref<50x128xi32, #tpu.memory_space<vmem>>, vector<16xi32>,
      %swap3A_283 = arith.index_cast %shift_right_arithmetic3A_263 : i32 to index
      %swap3A_284 = arith.index_cast %mul3A_267 : i32 to index
      %swap3A_285 = tpu.vector_load %arg15[%swap3A_283, %swap3A_284] {strides = array<i32>} : memref<50x128xi32, #tpu.memory_space<vmem>>, vector<16xi32>,
      tpu.vector_store %arg15[%swap3A_283, %swap3A_284], %broadcast_in_dim3A_59 {strides = array<i32>} : memref<50x128xi32, #tpu.memory_space<vmem>>, vector<16xi32>,
      %scan3A_286 = arith.constant 0 : i32
      scf.yield %scan3A_286 : i32
    }
    %scan3A_65 = arith.constant 400 : i32
    %iota3A = tpu.iota {dimensions = array<i32: 0>} : vector<16xi32>
    %broadcast_in_dim3A_66 = arith.constant 0 : i32
    %broadcast_in_dim3A_67 = vector.broadcast %broadcast_in_dim3A_66 : i32 to vector<16xi32>
    %scan3A_68 = arith.constant 0 : i32
    %scan3A_69 = arith.constant 400 : i32
    %scan3A_70 = arith.addi %scan3A_68, %scan3A_69 : i32
    %scan3A_71 = arith.constant 2 : i32
    %scan3A_72:3 = scf.for %scan3A_182 = %scan3A_68 to %scan3A_70 step %scan3A_71 iter_args(%scan3A_183 = %broadcast_in_dim3A_67, %scan3A_184 = %broadcast_in_dim3A_67, %scan3A_185 = %broadcast_in_dim3A_67) -> (vector<16xi32>, vector<16xi32>, vector<16xi32>)  : i32 {
      %mul3A_186 = arith.constant 16 : i32
      %mul3A_187 = arith.muli %scan3A_182, %mul3A_186 : i32
      %get3A = arith.index_cast %mul3A_187 : i32 to index
      %get3A_188 = tpu.vector_load %arg9[%get3A] {strides = array<i32>} : memref<6400xi32, #tpu.memory_space<vmem>>, vector<16xi32>,
      %mul3A_189 = arith.constant 16 : i32
      %mul3A_190 = arith.muli %scan3A_182, %mul3A_189 : i32
      %add3A_191 = arith.addi %mul3A_2, %mul3A_190 : i32
      %add3A_192 = vector.broadcast %add3A_191 : i32 to vector<16xi32>
      %add3A_193 = arith.addi %add3A_192, %iota3A : vector<16xi32>
      %lt3A = arith.constant 20000 : i32
      %lt3A_194 = vector.broadcast %lt3A : i32 to vector<16xi32>
      %lt3A_195 = arith.cmpi slt, %get3A_188, %lt3A_194 : vector<16xi32>
      %ge3A = arith.constant 200000 : i32
      %ge3A_196 = vector.broadcast %ge3A : i32 to vector<16xi32>
      %ge3A_197 = arith.cmpi sge, %get3A_188, %ge3A_196 : vector<16xi32>
      %ge3A_198 = arith.constant 20000 : i32
      %ge3A_199 = vector.broadcast %ge3A_198 : i32 to vector<16xi32>
      %ge3A_200 = arith.cmpi sge, %get3A_188, %ge3A_199 : vector<16xi32>
      %lt3A_201 = arith.constant 200000 : i32
      %lt3A_202 = vector.broadcast %lt3A_201 : i32 to vector<16xi32>
      %lt3A_203 = arith.cmpi slt, %get3A_188, %lt3A_202 : vector<16xi32>
      %and3A = arith.andi %ge3A_200, %lt3A_203 : vector<16xi1>
      %sub3A = arith.constant 20000 : i32
      %sub3A_204 = vector.broadcast %sub3A : i32 to vector<16xi32>
      %sub3A_205 = arith.subi %get3A_188, %sub3A_204 : vector<16xi32>
      %sub3A_206 = arith.constant 200000 : i32
      %sub3A_207 = vector.broadcast %sub3A_206 : i32 to vector<16xi32>
      %sub3A_208 = arith.subi %get3A_188, %sub3A_207 : vector<16xi32>
      %convert_element_type3A_209 = arith.extui %lt3A_195 : vector<16xi1> to vector<16xi32>
      %broadcast_in_dim3A_210 = arith.constant true
      %broadcast_in_dim3A_211 = vector.broadcast %broadcast_in_dim3A_210 : i1 to vector<16xi1>
      %masked_cumsum3A = tpu.scan <sum>, %convert_element_type3A_209 masked %broadcast_in_dim3A_211 : vector<16xi32>, vector<16xi1> -> vector<16xi32>
      %add3A_212 = arith.addi %scan3A_183, %masked_cumsum3A : vector<16xi32>
      %sub3A_213 = arith.subi %add3A_212, %convert_element_type3A_209 : vector<16xi32>
      %shift_right_logical3A_214 = arith.constant 7 : i32
      %shift_right_logical3A_215 = vector.broadcast %shift_right_logical3A_214 : i32 to vector<16xi32>
      %shift_right_logical3A_216 = arith.shrui %sub3A_213, %shift_right_logical3A_215 : vector<16xi32>
      %and3A_217 = arith.constant 127 : i32
      %and3A_218 = vector.broadcast %and3A_217 : i32 to vector<16xi32>
      %and3A_219 = arith.andi %sub3A_213, %and3A_218 : vector<16xi32>
      tpu.vector_store_idx %arg10[%shift_right_logical3A_216, %and3A_219], %get3A_188 masked %lt3A_195 : memref<50x128xi32, #tpu.memory_space<vmem>>[vector<16xi32>, vector<16xi32>], vector<16xi32>, vector<16xi1>
      tpu.vector_store_idx %arg11[%shift_right_logical3A_216, %and3A_219], %add3A_193 masked %lt3A_195 : memref<50x128xi32, #tpu.memory_space<vmem>>[vector<16xi32>, vector<16xi32>], vector<16xi32>, vector<16xi1>
      %all_reduce_population_count3A = tpu.all_reduce %lt3A_195 {dim = 0 : i64, kind = #tpu.reduction_kind<sum>} : vector<16xi1> -> vector<16xi32>
      %add3A_220 = arith.addi %scan3A_183, %all_reduce_population_count3A : vector<16xi32>
      %convert_element_type3A_221 = arith.extui %and3A : vector<16xi1> to vector<16xi32>
      %broadcast_in_dim3A_222 = arith.constant true
      %broadcast_in_dim3A_223 = vector.broadcast %broadcast_in_dim3A_222 : i1 to vector<16xi1>
      %masked_cumsum3A_224 = tpu.scan <sum>, %convert_element_type3A_221 masked %broadcast_in_dim3A_223 : vector<16xi32>, vector<16xi1> -> vector<16xi32>
      %add3A_225 = arith.addi %scan3A_184, %masked_cumsum3A_224 : vector<16xi32>
      %sub3A_226 = arith.subi %add3A_225, %convert_element_type3A_221 : vector<16xi32>
      %shift_right_logical3A_227 = arith.constant 7 : i32
      %shift_right_logical3A_228 = vector.broadcast %shift_right_logical3A_227 : i32 to vector<16xi32>
      %shift_right_logical3A_229 = arith.shrui %sub3A_226, %shift_right_logical3A_228 : vector<16xi32>
      %and3A_230 = arith.constant 127 : i32
      %and3A_231 = vector.broadcast %and3A_230 : i32 to vector<16xi32>
      %and3A_232 = arith.andi %sub3A_226, %and3A_231 : vector<16xi32>
      tpu.vector_store_idx %arg12[%shift_right_logical3A_229, %and3A_232], %sub3A_205 masked %and3A : memref<50x128xi32, #tpu.memory_space<vmem>>[vector<16xi32>, vector<16xi32>], vector<16xi32>, vector<16xi1>
      tpu.vector_store_idx %arg13[%shift_right_logical3A_229, %and3A_232], %add3A_193 masked %and3A : memref<50x128xi32, #tpu.memory_space<vmem>>[vector<16xi32>, vector<16xi32>], vector<16xi32>, vector<16xi1>
      %all_reduce_population_count3A_233 = tpu.all_reduce %and3A {dim = 0 : i64, kind = #tpu.reduction_kind<sum>} : vector<16xi1> -> vector<16xi32>
      %add3A_234 = arith.addi %scan3A_184, %all_reduce_population_count3A_233 : vector<16xi32>
      %convert_element_type3A_235 = arith.extui %ge3A_197 : vector<16xi1> to vector<16xi32>
      %broadcast_in_dim3A_236 = arith.constant true
      %broadcast_in_dim3A_237 = vector.broadcast %broadcast_in_dim3A_236 : i1 to vector<16xi1>
      %masked_cumsum3A_238 = tpu.scan <sum>, %convert_element_type3A_235 masked %broadcast_in_dim3A_237 : vector<16xi32>, vector<16xi1> -> vector<16xi32>
      %add3A_239 = arith.addi %scan3A_185, %masked_cumsum3A_238 : vector<16xi32>
      %sub3A_240 = arith.subi %add3A_239, %convert_element_type3A_235 : vector<16xi32>
      %shift_right_logical3A_241 = arith.constant 7 : i32
      %shift_right_logical3A_242 = vector.broadcast %shift_right_logical3A_241 : i32 to vector<16xi32>
      %shift_right_logical3A_243 = arith.shrui %sub3A_240, %shift_right_logical3A_242 : vector<16xi32>
      %and3A_244 = arith.constant 127 : i32
      %and3A_245 = vector.broadcast %and3A_244 : i32 to vector<16xi32>
      %and3A_246 = arith.andi %sub3A_240, %and3A_245 : vector<16xi32>
      tpu.vector_store_idx %arg14[%shift_right_logical3A_243, %and3A_246], %sub3A_208 masked %ge3A_197 : memref<50x128xi32, #tpu.memory_space<vmem>>[vector<16xi32>, vector<16xi32>], vector<16xi32>, vector<16xi1>
      tpu.vector_store_idx %arg15[%shift_right_logical3A_243, %and3A_246], %add3A_193 masked %ge3A_197 : memref<50x128xi32, #tpu.memory_space<vmem>>[vector<16xi32>, vector<16xi32>], vector<16xi32>, vector<16xi1>
      %all_reduce_population_count3A_247 = tpu.all_reduce %ge3A_197 {dim = 0 : i64, kind = #tpu.reduction_kind<sum>} : vector<16xi1> -> vector<16xi32>
      %add3A_248 = arith.addi %scan3A_185, %all_reduce_population_count3A_247 : vector<16xi32>
      %scan3A_249 = arith.constant 1 : i32
      %scan3A_250 = arith.addi %scan3A_182, %scan3A_249 : i32
      %mul3A_251 = arith.constant 16 : i32
      %mul3A_252 = arith.muli %scan3A_250, %mul3A_251 : i32
      %get3A_253 = arith.index_cast %mul3A_252 : i32 to index
      %get3A_254 = tpu.vector_load %arg9[%get3A_253] {strides = array<i32>} : memref<6400xi32, #tpu.memory_space<vmem>>, vector<16xi32>,
      %mul3A_255 = arith.constant 16 : i32
      %mul3A_256 = arith.muli %scan3A_250, %mul3A_255 : i32
      %add3A_257 = arith.addi %mul3A_2, %mul3A_256 : i32
      %add3A_258 = vector.broadcast %add3A_257 : i32 to vector<16xi32>
      %add3A_259 = arith.addi %add3A_258, %iota3A : vector<16xi32>
      %lt3A_260 = arith.constant 20000 : i32
      %lt3A_261 = vector.broadcast %lt3A_260 : i32 to vector<16xi32>
      %lt3A_262 = arith.cmpi slt, %get3A_254, %lt3A_261 : vector<16xi32>
      %ge3A_263 = arith.constant 200000 : i32
      %ge3A_264 = vector.broadcast %ge3A_263 : i32 to vector<16xi32>
      %ge3A_265 = arith.cmpi sge, %get3A_254, %ge3A_264 : vector<16xi32>
      %ge3A_266 = arith.constant 20000 : i32
      %ge3A_267 = vector.broadcast %ge3A_266 : i32 to vector<16xi32>
      %ge3A_268 = arith.cmpi sge, %get3A_254, %ge3A_267 : vector<16xi32>
      %lt3A_269 = arith.constant 200000 : i32
      %lt3A_270 = vector.broadcast %lt3A_269 : i32 to vector<16xi32>
      %lt3A_271 = arith.cmpi slt, %get3A_254, %lt3A_270 : vector<16xi32>
      %and3A_272 = arith.andi %ge3A_268, %lt3A_271 : vector<16xi1>
      %sub3A_273 = arith.constant 20000 : i32
      %sub3A_274 = vector.broadcast %sub3A_273 : i32 to vector<16xi32>
      %sub3A_275 = arith.subi %get3A_254, %sub3A_274 : vector<16xi32>
      %sub3A_276 = arith.constant 200000 : i32
      %sub3A_277 = vector.broadcast %sub3A_276 : i32 to vector<16xi32>
      %sub3A_278 = arith.subi %get3A_254, %sub3A_277 : vector<16xi32>
      %convert_element_type3A_279 = arith.extui %lt3A_262 : vector<16xi1> to vector<16xi32>
      %broadcast_in_dim3A_280 = arith.constant true
      %broadcast_in_dim3A_281 = vector.broadcast %broadcast_in_dim3A_280 : i1 to vector<16xi1>
      %masked_cumsum3A_282 = tpu.scan <sum>, %convert_element_type3A_279 masked %broadcast_in_dim3A_281 : vector<16xi32>, vector<16xi1> -> vector<16xi32>
      %add3A_283 = arith.addi %add3A_220, %masked_cumsum3A_282 : vector<16xi32>
      %sub3A_284 = arith.subi %add3A_283, %convert_element_type3A_279 : vector<16xi32>
      %shift_right_logical3A_285 = arith.constant 7 : i32
      %shift_right_logical3A_286 = vector.broadcast %shift_right_logical3A_285 : i32 to vector<16xi32>
      %shift_right_logical3A_287 = arith.shrui %sub3A_284, %shift_right_logical3A_286 : vector<16xi32>
      %and3A_288 = arith.constant 127 : i32
      %and3A_289 = vector.broadcast %and3A_288 : i32 to vector<16xi32>
      %and3A_290 = arith.andi %sub3A_284, %and3A_289 : vector<16xi32>
      tpu.vector_store_idx %arg10[%shift_right_logical3A_287, %and3A_290], %get3A_254 masked %lt3A_262 : memref<50x128xi32, #tpu.memory_space<vmem>>[vector<16xi32>, vector<16xi32>], vector<16xi32>, vector<16xi1>
      tpu.vector_store_idx %arg11[%shift_right_logical3A_287, %and3A_290], %add3A_259 masked %lt3A_262 : memref<50x128xi32, #tpu.memory_space<vmem>>[vector<16xi32>, vector<16xi32>], vector<16xi32>, vector<16xi1>
      %all_reduce_population_count3A_291 = tpu.all_reduce %lt3A_262 {dim = 0 : i64, kind = #tpu.reduction_kind<sum>} : vector<16xi1> -> vector<16xi32>
      %add3A_292 = arith.addi %add3A_220, %all_reduce_population_count3A_291 : vector<16xi32>
      %convert_element_type3A_293 = arith.extui %and3A_272 : vector<16xi1> to vector<16xi32>
      %broadcast_in_dim3A_294 = arith.constant true
      %broadcast_in_dim3A_295 = vector.broadcast %broadcast_in_dim3A_294 : i1 to vector<16xi1>
      %masked_cumsum3A_296 = tpu.scan <sum>, %convert_element_type3A_293 masked %broadcast_in_dim3A_295 : vector<16xi32>, vector<16xi1> -> vector<16xi32>
      %add3A_297 = arith.addi %add3A_234, %masked_cumsum3A_296 : vector<16xi32>
      %sub3A_298 = arith.subi %add3A_297, %convert_element_type3A_293 : vector<16xi32>
      %shift_right_logical3A_299 = arith.constant 7 : i32
      %shift_right_logical3A_300 = vector.broadcast %shift_right_logical3A_299 : i32 to vector<16xi32>
      %shift_right_logical3A_301 = arith.shrui %sub3A_298, %shift_right_logical3A_300 : vector<16xi32>
      %and3A_302 = arith.constant 127 : i32
      %and3A_303 = vector.broadcast %and3A_302 : i32 to vector<16xi32>
      %and3A_304 = arith.andi %sub3A_298, %and3A_303 : vector<16xi32>
      tpu.vector_store_idx %arg12[%shift_right_logical3A_301, %and3A_304], %sub3A_275 masked %and3A_272 : memref<50x128xi32, #tpu.memory_space<vmem>>[vector<16xi32>, vector<16xi32>], vector<16xi32>, vector<16xi1>
      tpu.vector_store_idx %arg13[%shift_right_logical3A_301, %and3A_304], %add3A_259 masked %and3A_272 : memref<50x128xi32, #tpu.memory_space<vmem>>[vector<16xi32>, vector<16xi32>], vector<16xi32>, vector<16xi1>
      %all_reduce_population_count3A_305 = tpu.all_reduce %and3A_272 {dim = 0 : i64, kind = #tpu.reduction_kind<sum>} : vector<16xi1> -> vector<16xi32>
      %add3A_306 = arith.addi %add3A_234, %all_reduce_population_count3A_305 : vector<16xi32>
      %convert_element_type3A_307 = arith.extui %ge3A_265 : vector<16xi1> to vector<16xi32>
      %broadcast_in_dim3A_308 = arith.constant true
      %broadcast_in_dim3A_309 = vector.broadcast %broadcast_in_dim3A_308 : i1 to vector<16xi1>
      %masked_cumsum3A_310 = tpu.scan <sum>, %convert_element_type3A_307 masked %broadcast_in_dim3A_309 : vector<16xi32>, vector<16xi1> -> vector<16xi32>
      %add3A_311 = arith.addi %add3A_248, %masked_cumsum3A_310 : vector<16xi32>
      %sub3A_312 = arith.subi %add3A_311, %convert_element_type3A_307 : vector<16xi32>
      %shift_right_logical3A_313 = arith.constant 7 : i32
      %shift_right_logical3A_314 = vector.broadcast %shift_right_logical3A_313 : i32 to vector<16xi32>
      %shift_right_logical3A_315 = arith.shrui %sub3A_312, %shift_right_logical3A_314 : vector<16xi32>
      %and3A_316 = arith.constant 127 : i32
      %and3A_317 = vector.broadcast %and3A_316 : i32 to vector<16xi32>
      %and3A_318 = arith.andi %sub3A_312, %and3A_317 : vector<16xi32>
      tpu.vector_store_idx %arg14[%shift_right_logical3A_315, %and3A_318], %sub3A_278 masked %ge3A_265 : memref<50x128xi32, #tpu.memory_space<vmem>>[vector<16xi32>, vector<16xi32>], vector<16xi32>, vector<16xi1>
      tpu.vector_store_idx %arg15[%shift_right_logical3A_315, %and3A_318], %add3A_259 masked %ge3A_265 : memref<50x128xi32, #tpu.memory_space<vmem>>[vector<16xi32>, vector<16xi32>], vector<16xi32>, vector<16xi1>
      %all_reduce_population_count3A_319 = tpu.all_reduce %ge3A_265 {dim = 0 : i64, kind = #tpu.reduction_kind<sum>} : vector<16xi1> -> vector<16xi32>
      %add3A_320 = arith.addi %add3A_248, %all_reduce_population_count3A_319 : vector<16xi32>
      scf.yield %add3A_292, %add3A_306, %add3A_320 : vector<16xi32>, vector<16xi32>, vector<16xi32>
    }
    %scan3A_73 = arith.constant 400 : i32
    %reduce_max3A = arith.constant true
    %reduce_max3A_74 = vector.broadcast %reduce_max3A : i1 to vector<16xi1>
    %reduce_max3A_75 = arith.constant -2147483648 : i32
    %reduce_max3A_76 = vector.broadcast %reduce_max3A_75 : i32 to vector<16xi32>
    %reduce_max3A_77 = arith.xori %scan3A_72#0, %reduce_max3A_76 : vector<16xi32>
    %reduce_max3A_78 = tpu.scan <max>, %reduce_max3A_77 masked %reduce_max3A_74 : vector<16xi32>, vector<16xi1> -> vector<16xi32>
    %reduce_max3A_79 = arith.xori %reduce_max3A_78, %reduce_max3A_76 : vector<16xi32>
    %reduce_max3A_80 = vector.extract %reduce_max3A_79[15] : i32 from vector<16xi32>
    %reduce_max3A_81 = arith.constant true
    %reduce_max3A_82 = vector.broadcast %reduce_max3A_81 : i1 to vector<16xi1>
    %reduce_max3A_83 = arith.constant -2147483648 : i32
    %reduce_max3A_84 = vector.broadcast %reduce_max3A_83 : i32 to vector<16xi32>
    %reduce_max3A_85 = arith.xori %scan3A_72#1, %reduce_max3A_84 : vector<16xi32>
    %reduce_max3A_86 = tpu.scan <max>, %reduce_max3A_85 masked %reduce_max3A_82 : vector<16xi32>, vector<16xi1> -> vector<16xi32>
    %reduce_max3A_87 = arith.xori %reduce_max3A_86, %reduce_max3A_84 : vector<16xi32>
    %reduce_max3A_88 = vector.extract %reduce_max3A_87[15] : i32 from vector<16xi32>
    %reduce_max3A_89 = arith.constant true
    %reduce_max3A_90 = vector.broadcast %reduce_max3A_89 : i1 to vector<16xi1>
    %reduce_max3A_91 = arith.constant -2147483648 : i32
    %reduce_max3A_92 = vector.broadcast %reduce_max3A_91 : i32 to vector<16xi32>
    %reduce_max3A_93 = arith.xori %scan3A_72#2, %reduce_max3A_92 : vector<16xi32>
    %reduce_max3A_94 = tpu.scan <max>, %reduce_max3A_93 masked %reduce_max3A_90 : vector<16xi32>, vector<16xi1> -> vector<16xi32>
    %reduce_max3A_95 = arith.xori %reduce_max3A_94, %reduce_max3A_92 : vector<16xi32>
    %reduce_max3A_96 = vector.extract %reduce_max3A_95[15] : i32 from vector<16xi32>
    %add3A_97 = arith.constant 127 : i32
    %add3A_98 = arith.addi %reduce_max3A_80, %add3A_97 : i32
    %shift_right_logical3A = arith.constant 7 : i32
    %shift_right_logical3A_99 = arith.shrui %add3A_98, %shift_right_logical3A : i32
    %gt3A = arith.constant 0 : i32
    %gt3A_100 = arith.cmpi sgt, %shift_right_logical3A_99, %gt3A : i32
    %convert_element_type3A = arith.extui %gt3A_100 : i1 to i32
    %cond3A = arith.constant 0 : i32
    %cond3A_101 = arith.cmpi ne, %convert_element_type3A, %cond3A : i32
    scf.if %cond3A_101 {
      %dma_start3A_182 = arith.constant 0 : i32
      %dma_start3A_183 = arith.constant 0 : i32
      %dma_start3A_184 = tpu.memref_slice %arg10[%dma_start3A_182, %dma_start3A_183] : memref<50x128xi32, #tpu.memory_space<vmem>> -> memref<1x128xi32, #tpu.memory_space<vmem>>
      %dma_start3A_185 = tpu.memref_squeeze %dma_start3A_184 : memref<1x128xi32, #tpu.memory_space<vmem>> -> memref<128xi32, #tpu.memory_space<vmem>>
      %dma_start3A_186 = arith.constant 0 : i32
      %dma_start3A_187 = arith.constant 0 : i32
      %dma_start3A_188 = tpu.memref_slice %arg3[%dma_start3A_186, %dma_start3A_187] : memref<20000x128xf32, #tpu.memory_space<hbm>> -> memref<20000x128xf32, #tpu.memory_space<hbm>>
      tpu.enqueue_indirect_dma source(%dma_start3A_188 : memref<20000x128xf32, #tpu.memory_space<hbm>>) target(%arg16 : memref<128x128xf32, #tpu.memory_space<vmem>>) offsets(%dma_start3A_185 : memref<128xi32, #tpu.memory_space<vmem>>) semaphore(%arg18 : memref<!tpu.dma_semaphore, #tpu.memory_space<semaphore_mem>>)
    } else {
    }
    %gt3A_102 = arith.constant 1 : i32
    %gt3A_103 = arith.cmpi sgt, %shift_right_logical3A_99, %gt3A_102 : i32
    %convert_element_type3A_104 = arith.extui %gt3A_103 : i1 to i32
    %cond3A_105 = arith.constant 0 : i32
    %cond3A_106 = arith.cmpi ne, %convert_element_type3A_104, %cond3A_105 : i32
    scf.if %cond3A_106 {
      %dma_start3A_182 = arith.constant 1 : i32
      %dma_start3A_183 = arith.constant 0 : i32
      %dma_start3A_184 = tpu.memref_slice %arg10[%dma_start3A_182, %dma_start3A_183] : memref<50x128xi32, #tpu.memory_space<vmem>> -> memref<1x128xi32, #tpu.memory_space<vmem>>
      %dma_start3A_185 = tpu.memref_squeeze %dma_start3A_184 : memref<1x128xi32, #tpu.memory_space<vmem>> -> memref<128xi32, #tpu.memory_space<vmem>>
      %dma_start3A_186 = arith.constant 0 : i32
      %dma_start3A_187 = arith.constant 0 : i32
      %dma_start3A_188 = tpu.memref_slice %arg3[%dma_start3A_186, %dma_start3A_187] : memref<20000x128xf32, #tpu.memory_space<hbm>> -> memref<20000x128xf32, #tpu.memory_space<hbm>>
      tpu.enqueue_indirect_dma source(%dma_start3A_188 : memref<20000x128xf32, #tpu.memory_space<hbm>>) target(%arg17 : memref<128x128xf32, #tpu.memory_space<vmem>>) offsets(%dma_start3A_185 : memref<128xi32, #tpu.memory_space<vmem>>) semaphore(%arg19 : memref<!tpu.dma_semaphore, #tpu.memory_space<semaphore_mem>>)
    } else {
    }
    %add3A_107 = arith.constant 1 : i32
    %add3A_108 = arith.addi %shift_right_logical3A_99, %add3A_107 : i32
    %shift_right_logical3A_109 = arith.constant 1 : i32
    %shift_right_logical3A_110 = arith.shrui %add3A_108, %shift_right_logical3A_109 : i32
    %while3A = arith.constant 0 : i32
    %while3A_111 = arith.constant 0 : i32
    %while3A_112 = arith.subi %shift_right_logical3A_110, %while3A : i32
    %while3A_113 = arith.addi %while3A, %while3A_112 : i32
    %while3A_114 = arith.constant 1 : i32
    %while3A_115 = arith.divsi %while3A_112, %while3A_114 : i32
    %while3A_116 = arith.muli %while3A_115, %while3A_114 : i32
    %while3A_117 = arith.addi %while3A, %while3A_116 : i32
    %while3A_118 = arith.constant 1 : i32
    %while3A_119 = scf.for %while3A_182 = %while3A to %while3A_117 step %while3A_118 iter_args(%while3A_183 = %while3A_111) -> (i32)  : i32 {
      %mul3A_184 = arith.constant 2 : i32
      %mul3A_185 = arith.muli %while3A_182, %mul3A_184 : i32
      %lt3A = arith.cmpi slt, %mul3A_185, %shift_right_logical3A_99 : i32
      %convert_element_type3A_186 = arith.extui %lt3A : i1 to i32
      %cond3A_187 = arith.constant 0 : i32
      %cond3A_188 = arith.cmpi ne, %convert_element_type3A_186, %cond3A_187 : i32
      scf.if %cond3A_188 {
        %dma_wait3A_196 = arith.constant 0 : i32
        %dma_wait3A_197 = arith.constant 0 : i32
        %dma_wait3A_198 = tpu.memref_slice %arg10[%dma_wait3A_196, %dma_wait3A_197] : memref<50x128xi32, #tpu.memory_space<vmem>> -> memref<1x128xi32, #tpu.memory_space<vmem>>
        %dma_wait3A_199 = tpu.memref_squeeze %dma_wait3A_198 : memref<1x128xi32, #tpu.memory_space<vmem>> -> memref<128xi32, #tpu.memory_space<vmem>>
        %dma_wait3A_200 = arith.constant 0 : i32
        %dma_wait3A_201 = arith.constant 0 : i32
        %dma_wait3A_202 = tpu.memref_slice %arg3[%dma_wait3A_200, %dma_wait3A_201] : memref<20000x128xf32, #tpu.memory_space<hbm>> -> memref<20000x128xf32, #tpu.memory_space<hbm>>
        tpu.wait_indirect_dma semaphore(%arg18 : memref<!tpu.dma_semaphore, #tpu.memory_space<semaphore_mem>>) src(%dma_wait3A_202 : memref<20000x128xf32, #tpu.memory_space<hbm>>) dst(%arg16 : memref<128x128xf32, #tpu.memory_space<vmem>>)
        "tpu.region"() ({
          %run_scoped3A = tpu.sem_alloc : memref<!tpu.dma_semaphore, #tpu.memory_space<semaphore_mem>>
          %dma_start3A_209 = arith.constant 0 : i32
          %dma_start3A_210 = tpu.memref_slice %arg11[%mul3A_185, %dma_start3A_209] : memref<50x128xi32, #tpu.memory_space<vmem>> -> memref<1x128xi32, #tpu.memory_space<vmem>>
          %dma_start3A_211 = tpu.memref_squeeze %dma_start3A_210 : memref<1x128xi32, #tpu.memory_space<vmem>> -> memref<128xi32, #tpu.memory_space<vmem>>
          %dma_start3A_212 = arith.constant 0 : i32
          %dma_start3A_213 = arith.constant 0 : i32
          %dma_start3A_214 = tpu.memref_slice %arg6[%dma_start3A_212, %dma_start3A_213] : memref<204808x128xf32, #tpu.memory_space<hbm>> -> memref<204808x128xf32, #tpu.memory_space<hbm>>
          tpu.enqueue_indirect_dma source(%arg16 : memref<128x128xf32, #tpu.memory_space<vmem>>) target(%dma_start3A_214 : memref<204808x128xf32, #tpu.memory_space<hbm>>) offsets(%dma_start3A_211 : memref<128xi32, #tpu.memory_space<vmem>>) semaphore(%run_scoped3A : memref<!tpu.dma_semaphore, #tpu.memory_space<semaphore_mem>>)
          %dma_wait3A_215 = arith.constant 0 : i32
          %dma_wait3A_216 = tpu.memref_slice %arg11[%mul3A_185, %dma_wait3A_215] : memref<50x128xi32, #tpu.memory_space<vmem>> -> memref<1x128xi32, #tpu.memory_space<vmem>>
          %dma_wait3A_217 = tpu.memref_squeeze %dma_wait3A_216 : memref<1x128xi32, #tpu.memory_space<vmem>> -> memref<128xi32, #tpu.memory_space<vmem>>
          %dma_wait3A_218 = arith.constant 0 : i32
          %dma_wait3A_219 = arith.constant 0 : i32
          %dma_wait3A_220 = tpu.memref_slice %arg6[%dma_wait3A_218, %dma_wait3A_219] : memref<204808x128xf32, #tpu.memory_space<hbm>> -> memref<204808x128xf32, #tpu.memory_space<hbm>>
          tpu.wait_indirect_dma semaphore(%run_scoped3A : memref<!tpu.dma_semaphore, #tpu.memory_space<semaphore_mem>>) src(%arg16 : memref<128x128xf32, #tpu.memory_space<vmem>>) dst(%dma_wait3A_220 : memref<204808x128xf32, #tpu.memory_space<hbm>>)
          tpu.yield
        }) : () -> ()
        %add3A_203 = arith.constant 2 : i32
        %add3A_204 = arith.addi %mul3A_185, %add3A_203 : i32
        %lt3A_205 = arith.cmpi slt, %add3A_204, %shift_right_logical3A_99 : i32
        %convert_element_type3A_206 = arith.extui %lt3A_205 : i1 to i32
        %cond3A_207 = arith.constant 0 : i32
        %cond3A_208 = arith.cmpi ne, %convert_element_type3A_206, %cond3A_207 : i32
        scf.if %cond3A_208 {
          %add3A_209 = arith.constant 2 : i32
          %add3A_210 = arith.addi %mul3A_185, %add3A_209 : i32
          %dma_start3A_211 = arith.constant 0 : i32
          %dma_start3A_212 = tpu.memref_slice %arg10[%add3A_210, %dma_start3A_211] : memref<50x128xi32, #tpu.memory_space<vmem>> -> memref<1x128xi32, #tpu.memory_space<vmem>>
          %dma_start3A_213 = tpu.memref_squeeze %dma_start3A_212 : memref<1x128xi32, #tpu.memory_space<vmem>> -> memref<128xi32, #tpu.memory_space<vmem>>
          %dma_start3A_214 = arith.constant 0 : i32
          %dma_start3A_215 = arith.constant 0 : i32
          %dma_start3A_216 = tpu.memref_slice %arg3[%dma_start3A_214, %dma_start3A_215] : memref<20000x128xf32, #tpu.memory_space<hbm>> -> memref<20000x128xf32, #tpu.memory_space<hbm>>
          tpu.enqueue_indirect_dma source(%dma_start3A_216 : memref<20000x128xf32, #tpu.memory_space<hbm>>) target(%arg16 : memref<128x128xf32, #tpu.memory_space<vmem>>) offsets(%dma_start3A_213 : memref<128xi32, #tpu.memory_space<vmem>>) semaphore(%arg18 : memref<!tpu.dma_semaphore, #tpu.memory_space<semaphore_mem>>)
        } else {
        }
      } else {
      }
      %add3A_189 = arith.constant 1 : i32
      %add3A_190 = arith.addi %mul3A_185, %add3A_189 : i32
      %lt3A_191 = arith.cmpi slt, %add3A_190, %shift_right_logical3A_99 : i32
      %convert_element_type3A_192 = arith.extui %lt3A_191 : i1 to i32
      %cond3A_193 = arith.constant 0 : i32
      %cond3A_194 = arith.cmpi ne, %convert_element_type3A_192, %cond3A_193 : i32
      scf.if %cond3A_194 {
        %add3A_196 = arith.constant 1 : i32
        %add3A_197 = arith.addi %mul3A_185, %add3A_196 : i32
        %dma_wait3A_198 = arith.constant 0 : i32
        %dma_wait3A_199 = arith.constant 0 : i32
        %dma_wait3A_200 = tpu.memref_slice %arg10[%dma_wait3A_198, %dma_wait3A_199] : memref<50x128xi32, #tpu.memory_space<vmem>> -> memref<1x128xi32, #tpu.memory_space<vmem>>
        %dma_wait3A_201 = tpu.memref_squeeze %dma_wait3A_200 : memref<1x128xi32, #tpu.memory_space<vmem>> -> memref<128xi32, #tpu.memory_space<vmem>>
        %dma_wait3A_202 = arith.constant 0 : i32
        %dma_wait3A_203 = arith.constant 0 : i32
        %dma_wait3A_204 = tpu.memref_slice %arg3[%dma_wait3A_202, %dma_wait3A_203] : memref<20000x128xf32, #tpu.memory_space<hbm>> -> memref<20000x128xf32, #tpu.memory_space<hbm>>
        tpu.wait_indirect_dma semaphore(%arg19 : memref<!tpu.dma_semaphore, #tpu.memory_space<semaphore_mem>>) src(%dma_wait3A_204 : memref<20000x128xf32, #tpu.memory_space<hbm>>) dst(%arg17 : memref<128x128xf32, #tpu.memory_space<vmem>>)
        "tpu.region"() ({
          %run_scoped3A = tpu.sem_alloc : memref<!tpu.dma_semaphore, #tpu.memory_space<semaphore_mem>>
          %dma_start3A_211 = arith.constant 0 : i32
          %dma_start3A_212 = tpu.memref_slice %arg11[%add3A_197, %dma_start3A_211] : memref<50x128xi32, #tpu.memory_space<vmem>> -> memref<1x128xi32, #tpu.memory_space<vmem>>
          %dma_start3A_213 = tpu.memref_squeeze %dma_start3A_212 : memref<1x128xi32, #tpu.memory_space<vmem>> -> memref<128xi32, #tpu.memory_space<vmem>>
          %dma_start3A_214 = arith.constant 0 : i32
          %dma_start3A_215 = arith.constant 0 : i32
          %dma_start3A_216 = tpu.memref_slice %arg6[%dma_start3A_214, %dma_start3A_215] : memref<204808x128xf32, #tpu.memory_space<hbm>> -> memref<204808x128xf32, #tpu.memory_space<hbm>>
          tpu.enqueue_indirect_dma source(%arg17 : memref<128x128xf32, #tpu.memory_space<vmem>>) target(%dma_start3A_216 : memref<204808x128xf32, #tpu.memory_space<hbm>>) offsets(%dma_start3A_213 : memref<128xi32, #tpu.memory_space<vmem>>) semaphore(%run_scoped3A : memref<!tpu.dma_semaphore, #tpu.memory_space<semaphore_mem>>)
          %dma_wait3A_217 = arith.constant 0 : i32
          %dma_wait3A_218 = tpu.memref_slice %arg11[%add3A_197, %dma_wait3A_217] : memref<50x128xi32, #tpu.memory_space<vmem>> -> memref<1x128xi32, #tpu.memory_space<vmem>>
          %dma_wait3A_219 = tpu.memref_squeeze %dma_wait3A_218 : memref<1x128xi32, #tpu.memory_space<vmem>> -> memref<128xi32, #tpu.memory_space<vmem>>
          %dma_wait3A_220 = arith.constant 0 : i32
          %dma_wait3A_221 = arith.constant 0 : i32
          %dma_wait3A_222 = tpu.memref_slice %arg6[%dma_wait3A_220, %dma_wait3A_221] : memref<204808x128xf32, #tpu.memory_space<hbm>> -> memref<204808x128xf32, #tpu.memory_space<hbm>>
          tpu.wait_indirect_dma semaphore(%run_scoped3A : memref<!tpu.dma_semaphore, #tpu.memory_space<semaphore_mem>>) src(%arg17 : memref<128x128xf32, #tpu.memory_space<vmem>>) dst(%dma_wait3A_222 : memref<204808x128xf32, #tpu.memory_space<hbm>>)
          tpu.yield
        }) : () -> ()
        %add3A_205 = arith.constant 3 : i32
        %add3A_206 = arith.addi %mul3A_185, %add3A_205 : i32
        %lt3A_207 = arith.cmpi slt, %add3A_206, %shift_right_logical3A_99 : i32
        %convert_element_type3A_208 = arith.extui %lt3A_207 : i1 to i32
        %cond3A_209 = arith.constant 0 : i32
        %cond3A_210 = arith.cmpi ne, %convert_element_type3A_208, %cond3A_209 : i32
        scf.if %cond3A_210 {
          %add3A_211 = arith.constant 3 : i32
          %add3A_212 = arith.addi %mul3A_185, %add3A_211 : i32
          %dma_start3A_213 = arith.constant 0 : i32
          %dma_start3A_214 = tpu.memref_slice %arg10[%add3A_212, %dma_start3A_213] : memref<50x128xi32, #tpu.memory_space<vmem>> -> memref<1x128xi32, #tpu.memory_space<vmem>>
          %dma_start3A_215 = tpu.memref_squeeze %dma_start3A_214 : memref<1x128xi32, #tpu.memory_space<vmem>> -> memref<128xi32, #tpu.memory_space<vmem>>
          %dma_start3A_216 = arith.constant 0 : i32
          %dma_start3A_217 = arith.constant 0 : i32
          %dma_start3A_218 = tpu.memref_slice %arg3[%dma_start3A_216, %dma_start3A_217] : memref<20000x128xf32, #tpu.memory_space<hbm>> -> memref<20000x128xf32, #tpu.memory_space<hbm>>
          tpu.enqueue_indirect_dma source(%dma_start3A_218 : memref<20000x128xf32, #tpu.memory_space<hbm>>) target(%arg17 : memref<128x128xf32, #tpu.memory_space<vmem>>) offsets(%dma_start3A_215 : memref<128xi32, #tpu.memory_space<vmem>>) semaphore(%arg19 : memref<!tpu.dma_semaphore, #tpu.memory_space<semaphore_mem>>)
        } else {
        }
      } else {
      }
      %while3A_195 = arith.constant 0 : i32
      scf.yield %while3A_195 : i32
    }
    %while3A_120 = arith.constant 1 : i32
    %while3A_121 = scf.for %while3A_182 = %while3A_117 to %while3A_113 step %while3A_120 iter_args(%while3A_183 = %while3A_119) -> (i32)  : i32 {
      %mul3A_184 = arith.constant 2 : i32
      %mul3A_185 = arith.muli %while3A_182, %mul3A_184 : i32
      %lt3A = arith.cmpi slt, %mul3A_185, %shift_right_logical3A_99 : i32
      %convert_element_type3A_186 = arith.extui %lt3A : i1 to i32
      %cond3A_187 = arith.constant 0 : i32
      %cond3A_188 = arith.cmpi ne, %convert_element_type3A_186, %cond3A_187 : i32
      scf.if %cond3A_188 {
        %dma_wait3A_196 = arith.constant 0 : i32
        %dma_wait3A_197 = arith.constant 0 : i32
        %dma_wait3A_198 = tpu.memref_slice %arg10[%dma_wait3A_196, %dma_wait3A_197] : memref<50x128xi32, #tpu.memory_space<vmem>> -> memref<1x128xi32, #tpu.memory_space<vmem>>
        %dma_wait3A_199 = tpu.memref_squeeze %dma_wait3A_198 : memref<1x128xi32, #tpu.memory_space<vmem>> -> memref<128xi32, #tpu.memory_space<vmem>>
        %dma_wait3A_200 = arith.constant 0 : i32
        %dma_wait3A_201 = arith.constant 0 : i32
        %dma_wait3A_202 = tpu.memref_slice %arg3[%dma_wait3A_200, %dma_wait3A_201] : memref<20000x128xf32, #tpu.memory_space<hbm>> -> memref<20000x128xf32, #tpu.memory_space<hbm>>
        tpu.wait_indirect_dma semaphore(%arg18 : memref<!tpu.dma_semaphore, #tpu.memory_space<semaphore_mem>>) src(%dma_wait3A_202 : memref<20000x128xf32, #tpu.memory_space<hbm>>) dst(%arg16 : memref<128x128xf32, #tpu.memory_space<vmem>>)
        "tpu.region"() ({
          %run_scoped3A = tpu.sem_alloc : memref<!tpu.dma_semaphore, #tpu.memory_space<semaphore_mem>>
          %dma_start3A_209 = arith.constant 0 : i32
          %dma_start3A_210 = tpu.memref_slice %arg11[%mul3A_185, %dma_start3A_209] : memref<50x128xi32, #tpu.memory_space<vmem>> -> memref<1x128xi32, #tpu.memory_space<vmem>>
          %dma_start3A_211 = tpu.memref_squeeze %dma_start3A_210 : memref<1x128xi32, #tpu.memory_space<vmem>> -> memref<128xi32, #tpu.memory_space<vmem>>
          %dma_start3A_212 = arith.constant 0 : i32
          %dma_start3A_213 = arith.constant 0 : i32
          %dma_start3A_214 = tpu.memref_slice %arg6[%dma_start3A_212, %dma_start3A_213] : memref<204808x128xf32, #tpu.memory_space<hbm>> -> memref<204808x128xf32, #tpu.memory_space<hbm>>
          tpu.enqueue_indirect_dma source(%arg16 : memref<128x128xf32, #tpu.memory_space<vmem>>) target(%dma_start3A_214 : memref<204808x128xf32, #tpu.memory_space<hbm>>) offsets(%dma_start3A_211 : memref<128xi32, #tpu.memory_space<vmem>>) semaphore(%run_scoped3A : memref<!tpu.dma_semaphore, #tpu.memory_space<semaphore_mem>>)
          %dma_wait3A_215 = arith.constant 0 : i32
          %dma_wait3A_216 = tpu.memref_slice %arg11[%mul3A_185, %dma_wait3A_215] : memref<50x128xi32, #tpu.memory_space<vmem>> -> memref<1x128xi32, #tpu.memory_space<vmem>>
          %dma_wait3A_217 = tpu.memref_squeeze %dma_wait3A_216 : memref<1x128xi32, #tpu.memory_space<vmem>> -> memref<128xi32, #tpu.memory_space<vmem>>
          %dma_wait3A_218 = arith.constant 0 : i32
          %dma_wait3A_219 = arith.constant 0 : i32
          %dma_wait3A_220 = tpu.memref_slice %arg6[%dma_wait3A_218, %dma_wait3A_219] : memref<204808x128xf32, #tpu.memory_space<hbm>> -> memref<204808x128xf32, #tpu.memory_space<hbm>>
          tpu.wait_indirect_dma semaphore(%run_scoped3A : memref<!tpu.dma_semaphore, #tpu.memory_space<semaphore_mem>>) src(%arg16 : memref<128x128xf32, #tpu.memory_space<vmem>>) dst(%dma_wait3A_220 : memref<204808x128xf32, #tpu.memory_space<hbm>>)
          tpu.yield
        }) : () -> ()
        %add3A_203 = arith.constant 2 : i32
        %add3A_204 = arith.addi %mul3A_185, %add3A_203 : i32
        %lt3A_205 = arith.cmpi slt, %add3A_204, %shift_right_logical3A_99 : i32
        %convert_element_type3A_206 = arith.extui %lt3A_205 : i1 to i32
        %cond3A_207 = arith.constant 0 : i32
        %cond3A_208 = arith.cmpi ne, %convert_element_type3A_206, %cond3A_207 : i32
        scf.if %cond3A_208 {
          %add3A_209 = arith.constant 2 : i32
          %add3A_210 = arith.addi %mul3A_185, %add3A_209 : i32
          %dma_start3A_211 = arith.constant 0 : i32
          %dma_start3A_212 = tpu.memref_slice %arg10[%add3A_210, %dma_start3A_211] : memref<50x128xi32, #tpu.memory_space<vmem>> -> memref<1x128xi32, #tpu.memory_space<vmem>>
          %dma_start3A_213 = tpu.memref_squeeze %dma_start3A_212 : memref<1x128xi32, #tpu.memory_space<vmem>> -> memref<128xi32, #tpu.memory_space<vmem>>
          %dma_start3A_214 = arith.constant 0 : i32
          %dma_start3A_215 = arith.constant 0 : i32
          %dma_start3A_216 = tpu.memref_slice %arg3[%dma_start3A_214, %dma_start3A_215] : memref<20000x128xf32, #tpu.memory_space<hbm>> -> memref<20000x128xf32, #tpu.memory_space<hbm>>
          tpu.enqueue_indirect_dma source(%dma_start3A_216 : memref<20000x128xf32, #tpu.memory_space<hbm>>) target(%arg16 : memref<128x128xf32, #tpu.memory_space<vmem>>) offsets(%dma_start3A_213 : memref<128xi32, #tpu.memory_space<vmem>>) semaphore(%arg18 : memref<!tpu.dma_semaphore, #tpu.memory_space<semaphore_mem>>)
        } else {
        }
      } else {
      }
      %add3A_189 = arith.constant 1 : i32
      %add3A_190 = arith.addi %mul3A_185, %add3A_189 : i32
      %lt3A_191 = arith.cmpi slt, %add3A_190, %shift_right_logical3A_99 : i32
      %convert_element_type3A_192 = arith.extui %lt3A_191 : i1 to i32
      %cond3A_193 = arith.constant 0 : i32
      %cond3A_194 = arith.cmpi ne, %convert_element_type3A_192, %cond3A_193 : i32
      scf.if %cond3A_194 {
        %add3A_196 = arith.constant 1 : i32
        %add3A_197 = arith.addi %mul3A_185, %add3A_196 : i32
        %dma_wait3A_198 = arith.constant 0 : i32
        %dma_wait3A_199 = arith.constant 0 : i32
        %dma_wait3A_200 = tpu.memref_slice %arg10[%dma_wait3A_198, %dma_wait3A_199] : memref<50x128xi32, #tpu.memory_space<vmem>> -> memref<1x128xi32, #tpu.memory_space<vmem>>
        %dma_wait3A_201 = tpu.memref_squeeze %dma_wait3A_200 : memref<1x128xi32, #tpu.memory_space<vmem>> -> memref<128xi32, #tpu.memory_space<vmem>>
        %dma_wait3A_202 = arith.constant 0 : i32
        %dma_wait3A_203 = arith.constant 0 : i32
        %dma_wait3A_204 = tpu.memref_slice %arg3[%dma_wait3A_202, %dma_wait3A_203] : memref<20000x128xf32, #tpu.memory_space<hbm>> -> memref<20000x128xf32, #tpu.memory_space<hbm>>
        tpu.wait_indirect_dma semaphore(%arg19 : memref<!tpu.dma_semaphore, #tpu.memory_space<semaphore_mem>>) src(%dma_wait3A_204 : memref<20000x128xf32, #tpu.memory_space<hbm>>) dst(%arg17 : memref<128x128xf32, #tpu.memory_space<vmem>>)
        "tpu.region"() ({
          %run_scoped3A = tpu.sem_alloc : memref<!tpu.dma_semaphore, #tpu.memory_space<semaphore_mem>>
          %dma_start3A_211 = arith.constant 0 : i32
          %dma_start3A_212 = tpu.memref_slice %arg11[%add3A_197, %dma_start3A_211] : memref<50x128xi32, #tpu.memory_space<vmem>> -> memref<1x128xi32, #tpu.memory_space<vmem>>
          %dma_start3A_213 = tpu.memref_squeeze %dma_start3A_212 : memref<1x128xi32, #tpu.memory_space<vmem>> -> memref<128xi32, #tpu.memory_space<vmem>>
          %dma_start3A_214 = arith.constant 0 : i32
          %dma_start3A_215 = arith.constant 0 : i32
          %dma_start3A_216 = tpu.memref_slice %arg6[%dma_start3A_214, %dma_start3A_215] : memref<204808x128xf32, #tpu.memory_space<hbm>> -> memref<204808x128xf32, #tpu.memory_space<hbm>>
          tpu.enqueue_indirect_dma source(%arg17 : memref<128x128xf32, #tpu.memory_space<vmem>>) target(%dma_start3A_216 : memref<204808x128xf32, #tpu.memory_space<hbm>>) offsets(%dma_start3A_213 : memref<128xi32, #tpu.memory_space<vmem>>) semaphore(%run_scoped3A : memref<!tpu.dma_semaphore, #tpu.memory_space<semaphore_mem>>)
          %dma_wait3A_217 = arith.constant 0 : i32
          %dma_wait3A_218 = tpu.memref_slice %arg11[%add3A_197, %dma_wait3A_217] : memref<50x128xi32, #tpu.memory_space<vmem>> -> memref<1x128xi32, #tpu.memory_space<vmem>>
          %dma_wait3A_219 = tpu.memref_squeeze %dma_wait3A_218 : memref<1x128xi32, #tpu.memory_space<vmem>> -> memref<128xi32, #tpu.memory_space<vmem>>
          %dma_wait3A_220 = arith.constant 0 : i32
          %dma_wait3A_221 = arith.constant 0 : i32
          %dma_wait3A_222 = tpu.memref_slice %arg6[%dma_wait3A_220, %dma_wait3A_221] : memref<204808x128xf32, #tpu.memory_space<hbm>> -> memref<204808x128xf32, #tpu.memory_space<hbm>>
          tpu.wait_indirect_dma semaphore(%run_scoped3A : memref<!tpu.dma_semaphore, #tpu.memory_space<semaphore_mem>>) src(%arg17 : memref<128x128xf32, #tpu.memory_space<vmem>>) dst(%dma_wait3A_222 : memref<204808x128xf32, #tpu.memory_space<hbm>>)
          tpu.yield
        }) : () -> ()
        %add3A_205 = arith.constant 3 : i32
        %add3A_206 = arith.addi %mul3A_185, %add3A_205 : i32
        %lt3A_207 = arith.cmpi slt, %add3A_206, %shift_right_logical3A_99 : i32
        %convert_element_type3A_208 = arith.extui %lt3A_207 : i1 to i32
        %cond3A_209 = arith.constant 0 : i32
        %cond3A_210 = arith.cmpi ne, %convert_element_type3A_208, %cond3A_209 : i32
        scf.if %cond3A_210 {
          %add3A_211 = arith.constant 3 : i32
          %add3A_212 = arith.addi %mul3A_185, %add3A_211 : i32
          %dma_start3A_213 = arith.constant 0 : i32
          %dma_start3A_214 = tpu.memref_slice %arg10[%add3A_212, %dma_start3A_213] : memref<50x128xi32, #tpu.memory_space<vmem>> -> memref<1x128xi32, #tpu.memory_space<vmem>>
          %dma_start3A_215 = tpu.memref_squeeze %dma_start3A_214 : memref<1x128xi32, #tpu.memory_space<vmem>> -> memref<128xi32, #tpu.memory_space<vmem>>
          %dma_start3A_216 = arith.constant 0 : i32
          %dma_start3A_217 = arith.constant 0 : i32
          %dma_start3A_218 = tpu.memref_slice %arg3[%dma_start3A_216, %dma_start3A_217] : memref<20000x128xf32, #tpu.memory_space<hbm>> -> memref<20000x128xf32, #tpu.memory_space<hbm>>
          tpu.enqueue_indirect_dma source(%dma_start3A_218 : memref<20000x128xf32, #tpu.memory_space<hbm>>) target(%arg17 : memref<128x128xf32, #tpu.memory_space<vmem>>) offsets(%dma_start3A_215 : memref<128xi32, #tpu.memory_space<vmem>>) semaphore(%arg19 : memref<!tpu.dma_semaphore, #tpu.memory_space<semaphore_mem>>)
        } else {
        }
      } else {
      }
      %while3A_195 = arith.constant 0 : i32
      scf.yield %while3A_195 : i32
    }
    %add3A_122 = arith.constant 127 : i32
    %add3A_123 = arith.addi %reduce_max3A_88, %add3A_122 : i32
    %shift_right_logical3A_124 = arith.constant 7 : i32
    %shift_right_logical3A_125 = arith.shrui %add3A_123, %shift_right_logical3A_124 : i32
    %gt3A_126 = arith.constant 0 : i32
    %gt3A_127 = arith.cmpi sgt, %shift_right_logical3A_125, %gt3A_126 : i32
    %convert_element_type3A_128 = arith.extui %gt3A_127 : i1 to i32
    %cond3A_129 = arith.constant 0 : i32
    %cond3A_130 = arith.cmpi ne, %convert_element_type3A_128, %cond3A_129 : i32
    scf.if %cond3A_130 {
      %dma_start3A_182 = arith.constant 0 : i32
      %dma_start3A_183 = arith.constant 0 : i32
      %dma_start3A_184 = tpu.memref_slice %arg12[%dma_start3A_182, %dma_start3A_183] : memref<50x128xi32, #tpu.memory_space<vmem>> -> memref<1x128xi32, #tpu.memory_space<vmem>>
      %dma_start3A_185 = tpu.memref_squeeze %dma_start3A_184 : memref<1x128xi32, #tpu.memory_space<vmem>> -> memref<128xi32, #tpu.memory_space<vmem>>
      %dma_start3A_186 = arith.constant 0 : i32
      %dma_start3A_187 = arith.constant 0 : i32
      %dma_start3A_188 = tpu.memref_slice %arg4[%dma_start3A_186, %dma_start3A_187] : memref<180000x32xf32, #tpu.memory_space<hbm>> -> memref<180000x32xf32, #tpu.memory_space<hbm>>
      tpu.enqueue_indirect_dma source(%dma_start3A_188 : memref<180000x32xf32, #tpu.memory_space<hbm>>) target(%arg20 : memref<128x32xf32, #tpu.memory_space<vmem>>) offsets(%dma_start3A_185 : memref<128xi32, #tpu.memory_space<vmem>>) semaphore(%arg22 : memref<!tpu.dma_semaphore, #tpu.memory_space<semaphore_mem>>)
    } else {
    }
    %gt3A_131 = arith.constant 1 : i32
    %gt3A_132 = arith.cmpi sgt, %shift_right_logical3A_125, %gt3A_131 : i32
    %convert_element_type3A_133 = arith.extui %gt3A_132 : i1 to i32
    %cond3A_134 = arith.constant 0 : i32
    %cond3A_135 = arith.cmpi ne, %convert_element_type3A_133, %cond3A_134 : i32
    scf.if %cond3A_135 {
      %dma_start3A_182 = arith.constant 1 : i32
      %dma_start3A_183 = arith.constant 0 : i32
      %dma_start3A_184 = tpu.memref_slice %arg12[%dma_start3A_182, %dma_start3A_183] : memref<50x128xi32, #tpu.memory_space<vmem>> -> memref<1x128xi32, #tpu.memory_space<vmem>>
      %dma_start3A_185 = tpu.memref_squeeze %dma_start3A_184 : memref<1x128xi32, #tpu.memory_space<vmem>> -> memref<128xi32, #tpu.memory_space<vmem>>
      %dma_start3A_186 = arith.constant 0 : i32
      %dma_start3A_187 = arith.constant 0 : i32
      %dma_start3A_188 = tpu.memref_slice %arg4[%dma_start3A_186, %dma_start3A_187] : memref<180000x32xf32, #tpu.memory_space<hbm>> -> memref<180000x32xf32, #tpu.memory_space<hbm>>
      tpu.enqueue_indirect_dma source(%dma_start3A_188 : memref<180000x32xf32, #tpu.memory_space<hbm>>) target(%arg21 : memref<128x32xf32, #tpu.memory_space<vmem>>) offsets(%dma_start3A_185 : memref<128xi32, #tpu.memory_space<vmem>>) semaphore(%arg23 : memref<!tpu.dma_semaphore, #tpu.memory_space<semaphore_mem>>)
    } else {
    }
    %add3A_136 = arith.constant 1 : i32
    %add3A_137 = arith.addi %shift_right_logical3A_125, %add3A_136 : i32
    %shift_right_logical3A_138 = arith.constant 1 : i32
    %shift_right_logical3A_139 = arith.shrui %add3A_137, %shift_right_logical3A_138 : i32
    %while3A_140 = arith.constant 0 : i32
    %while3A_141 = arith.constant 0 : i32
    %while3A_142 = arith.subi %shift_right_logical3A_139, %while3A_140 : i32
    %while3A_143 = arith.addi %while3A_140, %while3A_142 : i32
    %while3A_144 = arith.constant 1 : i32
    %while3A_145 = arith.divsi %while3A_142, %while3A_144 : i32
    %while3A_146 = arith.muli %while3A_145, %while3A_144 : i32
    %while3A_147 = arith.addi %while3A_140, %while3A_146 : i32
    %while3A_148 = arith.constant 1 : i32
    %while3A_149 = scf.for %while3A_182 = %while3A_140 to %while3A_147 step %while3A_148 iter_args(%while3A_183 = %while3A_141) -> (i32)  : i32 {
      %mul3A_184 = arith.constant 2 : i32
      %mul3A_185 = arith.muli %while3A_182, %mul3A_184 : i32
      %lt3A = arith.cmpi slt, %mul3A_185, %shift_right_logical3A_125 : i32
      %convert_element_type3A_186 = arith.extui %lt3A : i1 to i32
      %cond3A_187 = arith.constant 0 : i32
      %cond3A_188 = arith.cmpi ne, %convert_element_type3A_186, %cond3A_187 : i32
      scf.if %cond3A_188 {
        %dma_wait3A_196 = arith.constant 0 : i32
        %dma_wait3A_197 = arith.constant 0 : i32
        %dma_wait3A_198 = tpu.memref_slice %arg12[%dma_wait3A_196, %dma_wait3A_197] : memref<50x128xi32, #tpu.memory_space<vmem>> -> memref<1x128xi32, #tpu.memory_space<vmem>>
        %dma_wait3A_199 = tpu.memref_squeeze %dma_wait3A_198 : memref<1x128xi32, #tpu.memory_space<vmem>> -> memref<128xi32, #tpu.memory_space<vmem>>
        %dma_wait3A_200 = arith.constant 0 : i32
        %dma_wait3A_201 = arith.constant 0 : i32
        %dma_wait3A_202 = tpu.memref_slice %arg4[%dma_wait3A_200, %dma_wait3A_201] : memref<180000x32xf32, #tpu.memory_space<hbm>> -> memref<180000x32xf32, #tpu.memory_space<hbm>>
        tpu.wait_indirect_dma semaphore(%arg22 : memref<!tpu.dma_semaphore, #tpu.memory_space<semaphore_mem>>) src(%dma_wait3A_202 : memref<180000x32xf32, #tpu.memory_space<hbm>>) dst(%arg20 : memref<128x32xf32, #tpu.memory_space<vmem>>)
        "tpu.region"() ({
          %run_scoped3A = tpu.sem_alloc : memref<!tpu.dma_semaphore, #tpu.memory_space<semaphore_mem>>
          %dma_start3A_209 = arith.constant 0 : i32
          %dma_start3A_210 = tpu.memref_slice %arg13[%mul3A_185, %dma_start3A_209] : memref<50x128xi32, #tpu.memory_space<vmem>> -> memref<1x128xi32, #tpu.memory_space<vmem>>
          %dma_start3A_211 = tpu.memref_squeeze %dma_start3A_210 : memref<1x128xi32, #tpu.memory_space<vmem>> -> memref<128xi32, #tpu.memory_space<vmem>>
          %dma_start3A_212 = arith.constant 0 : i32
          %dma_start3A_213 = arith.constant 0 : i32
          %dma_start3A_214 = tpu.memref_slice %arg7[%dma_start3A_212, %dma_start3A_213] : memref<204808x32xf32, #tpu.memory_space<hbm>> -> memref<204808x32xf32, #tpu.memory_space<hbm>>
          tpu.enqueue_indirect_dma source(%arg20 : memref<128x32xf32, #tpu.memory_space<vmem>>) target(%dma_start3A_214 : memref<204808x32xf32, #tpu.memory_space<hbm>>) offsets(%dma_start3A_211 : memref<128xi32, #tpu.memory_space<vmem>>) semaphore(%run_scoped3A : memref<!tpu.dma_semaphore, #tpu.memory_space<semaphore_mem>>)
          %dma_wait3A_215 = arith.constant 0 : i32
          %dma_wait3A_216 = tpu.memref_slice %arg13[%mul3A_185, %dma_wait3A_215] : memref<50x128xi32, #tpu.memory_space<vmem>> -> memref<1x128xi32, #tpu.memory_space<vmem>>
          %dma_wait3A_217 = tpu.memref_squeeze %dma_wait3A_216 : memref<1x128xi32, #tpu.memory_space<vmem>> -> memref<128xi32, #tpu.memory_space<vmem>>
          %dma_wait3A_218 = arith.constant 0 : i32
          %dma_wait3A_219 = arith.constant 0 : i32
          %dma_wait3A_220 = tpu.memref_slice %arg7[%dma_wait3A_218, %dma_wait3A_219] : memref<204808x32xf32, #tpu.memory_space<hbm>> -> memref<204808x32xf32, #tpu.memory_space<hbm>>
          tpu.wait_indirect_dma semaphore(%run_scoped3A : memref<!tpu.dma_semaphore, #tpu.memory_space<semaphore_mem>>) src(%arg20 : memref<128x32xf32, #tpu.memory_space<vmem>>) dst(%dma_wait3A_220 : memref<204808x32xf32, #tpu.memory_space<hbm>>)
          tpu.yield
        }) : () -> ()
        %add3A_203 = arith.constant 2 : i32
        %add3A_204 = arith.addi %mul3A_185, %add3A_203 : i32
        %lt3A_205 = arith.cmpi slt, %add3A_204, %shift_right_logical3A_125 : i32
        %convert_element_type3A_206 = arith.extui %lt3A_205 : i1 to i32
        %cond3A_207 = arith.constant 0 : i32
        %cond3A_208 = arith.cmpi ne, %convert_element_type3A_206, %cond3A_207 : i32
        scf.if %cond3A_208 {
          %add3A_209 = arith.constant 2 : i32
          %add3A_210 = arith.addi %mul3A_185, %add3A_209 : i32
          %dma_start3A_211 = arith.constant 0 : i32
          %dma_start3A_212 = tpu.memref_slice %arg12[%add3A_210, %dma_start3A_211] : memref<50x128xi32, #tpu.memory_space<vmem>> -> memref<1x128xi32, #tpu.memory_space<vmem>>
          %dma_start3A_213 = tpu.memref_squeeze %dma_start3A_212 : memref<1x128xi32, #tpu.memory_space<vmem>> -> memref<128xi32, #tpu.memory_space<vmem>>
          %dma_start3A_214 = arith.constant 0 : i32
          %dma_start3A_215 = arith.constant 0 : i32
          %dma_start3A_216 = tpu.memref_slice %arg4[%dma_start3A_214, %dma_start3A_215] : memref<180000x32xf32, #tpu.memory_space<hbm>> -> memref<180000x32xf32, #tpu.memory_space<hbm>>
          tpu.enqueue_indirect_dma source(%dma_start3A_216 : memref<180000x32xf32, #tpu.memory_space<hbm>>) target(%arg20 : memref<128x32xf32, #tpu.memory_space<vmem>>) offsets(%dma_start3A_213 : memref<128xi32, #tpu.memory_space<vmem>>) semaphore(%arg22 : memref<!tpu.dma_semaphore, #tpu.memory_space<semaphore_mem>>)
        } else {
        }
      } else {
      }
      %add3A_189 = arith.constant 1 : i32
      %add3A_190 = arith.addi %mul3A_185, %add3A_189 : i32
      %lt3A_191 = arith.cmpi slt, %add3A_190, %shift_right_logical3A_125 : i32
      %convert_element_type3A_192 = arith.extui %lt3A_191 : i1 to i32
      %cond3A_193 = arith.constant 0 : i32
      %cond3A_194 = arith.cmpi ne, %convert_element_type3A_192, %cond3A_193 : i32
      scf.if %cond3A_194 {
        %add3A_196 = arith.constant 1 : i32
        %add3A_197 = arith.addi %mul3A_185, %add3A_196 : i32
        %dma_wait3A_198 = arith.constant 0 : i32
        %dma_wait3A_199 = arith.constant 0 : i32
        %dma_wait3A_200 = tpu.memref_slice %arg12[%dma_wait3A_198, %dma_wait3A_199] : memref<50x128xi32, #tpu.memory_space<vmem>> -> memref<1x128xi32, #tpu.memory_space<vmem>>
        %dma_wait3A_201 = tpu.memref_squeeze %dma_wait3A_200 : memref<1x128xi32, #tpu.memory_space<vmem>> -> memref<128xi32, #tpu.memory_space<vmem>>
        %dma_wait3A_202 = arith.constant 0 : i32
        %dma_wait3A_203 = arith.constant 0 : i32
        %dma_wait3A_204 = tpu.memref_slice %arg4[%dma_wait3A_202, %dma_wait3A_203] : memref<180000x32xf32, #tpu.memory_space<hbm>> -> memref<180000x32xf32, #tpu.memory_space<hbm>>
        tpu.wait_indirect_dma semaphore(%arg23 : memref<!tpu.dma_semaphore, #tpu.memory_space<semaphore_mem>>) src(%dma_wait3A_204 : memref<180000x32xf32, #tpu.memory_space<hbm>>) dst(%arg21 : memref<128x32xf32, #tpu.memory_space<vmem>>)
        "tpu.region"() ({
          %run_scoped3A = tpu.sem_alloc : memref<!tpu.dma_semaphore, #tpu.memory_space<semaphore_mem>>
          %dma_start3A_211 = arith.constant 0 : i32
          %dma_start3A_212 = tpu.memref_slice %arg13[%add3A_197, %dma_start3A_211] : memref<50x128xi32, #tpu.memory_space<vmem>> -> memref<1x128xi32, #tpu.memory_space<vmem>>
          %dma_start3A_213 = tpu.memref_squeeze %dma_start3A_212 : memref<1x128xi32, #tpu.memory_space<vmem>> -> memref<128xi32, #tpu.memory_space<vmem>>
          %dma_start3A_214 = arith.constant 0 : i32
          %dma_start3A_215 = arith.constant 0 : i32
          %dma_start3A_216 = tpu.memref_slice %arg7[%dma_start3A_214, %dma_start3A_215] : memref<204808x32xf32, #tpu.memory_space<hbm>> -> memref<204808x32xf32, #tpu.memory_space<hbm>>
          tpu.enqueue_indirect_dma source(%arg21 : memref<128x32xf32, #tpu.memory_space<vmem>>) target(%dma_start3A_216 : memref<204808x32xf32, #tpu.memory_space<hbm>>) offsets(%dma_start3A_213 : memref<128xi32, #tpu.memory_space<vmem>>) semaphore(%run_scoped3A : memref<!tpu.dma_semaphore, #tpu.memory_space<semaphore_mem>>)
          %dma_wait3A_217 = arith.constant 0 : i32
          %dma_wait3A_218 = tpu.memref_slice %arg13[%add3A_197, %dma_wait3A_217] : memref<50x128xi32, #tpu.memory_space<vmem>> -> memref<1x128xi32, #tpu.memory_space<vmem>>
          %dma_wait3A_219 = tpu.memref_squeeze %dma_wait3A_218 : memref<1x128xi32, #tpu.memory_space<vmem>> -> memref<128xi32, #tpu.memory_space<vmem>>
          %dma_wait3A_220 = arith.constant 0 : i32
          %dma_wait3A_221 = arith.constant 0 : i32
          %dma_wait3A_222 = tpu.memref_slice %arg7[%dma_wait3A_220, %dma_wait3A_221] : memref<204808x32xf32, #tpu.memory_space<hbm>> -> memref<204808x32xf32, #tpu.memory_space<hbm>>
          tpu.wait_indirect_dma semaphore(%run_scoped3A : memref<!tpu.dma_semaphore, #tpu.memory_space<semaphore_mem>>) src(%arg21 : memref<128x32xf32, #tpu.memory_space<vmem>>) dst(%dma_wait3A_222 : memref<204808x32xf32, #tpu.memory_space<hbm>>)
          tpu.yield
        }) : () -> ()
        %add3A_205 = arith.constant 3 : i32
        %add3A_206 = arith.addi %mul3A_185, %add3A_205 : i32
        %lt3A_207 = arith.cmpi slt, %add3A_206, %shift_right_logical3A_125 : i32
        %convert_element_type3A_208 = arith.extui %lt3A_207 : i1 to i32
        %cond3A_209 = arith.constant 0 : i32
        %cond3A_210 = arith.cmpi ne, %convert_element_type3A_208, %cond3A_209 : i32
        scf.if %cond3A_210 {
          %add3A_211 = arith.constant 3 : i32
          %add3A_212 = arith.addi %mul3A_185, %add3A_211 : i32
          %dma_start3A_213 = arith.constant 0 : i32
          %dma_start3A_214 = tpu.memref_slice %arg12[%add3A_212, %dma_start3A_213] : memref<50x128xi32, #tpu.memory_space<vmem>> -> memref<1x128xi32, #tpu.memory_space<vmem>>
          %dma_start3A_215 = tpu.memref_squeeze %dma_start3A_214 : memref<1x128xi32, #tpu.memory_space<vmem>> -> memref<128xi32, #tpu.memory_space<vmem>>
          %dma_start3A_216 = arith.constant 0 : i32
          %dma_start3A_217 = arith.constant 0 : i32
          %dma_start3A_218 = tpu.memref_slice %arg4[%dma_start3A_216, %dma_start3A_217] : memref<180000x32xf32, #tpu.memory_space<hbm>> -> memref<180000x32xf32, #tpu.memory_space<hbm>>
          tpu.enqueue_indirect_dma source(%dma_start3A_218 : memref<180000x32xf32, #tpu.memory_space<hbm>>) target(%arg21 : memref<128x32xf32, #tpu.memory_space<vmem>>) offsets(%dma_start3A_215 : memref<128xi32, #tpu.memory_space<vmem>>) semaphore(%arg23 : memref<!tpu.dma_semaphore, #tpu.memory_space<semaphore_mem>>)
        } else {
        }
      } else {
      }
      %while3A_195 = arith.constant 0 : i32
      scf.yield %while3A_195 : i32
    }
    %while3A_150 = arith.constant 1 : i32
    %while3A_151 = scf.for %while3A_182 = %while3A_147 to %while3A_143 step %while3A_150 iter_args(%while3A_183 = %while3A_149) -> (i32)  : i32 {
      %mul3A_184 = arith.constant 2 : i32
      %mul3A_185 = arith.muli %while3A_182, %mul3A_184 : i32
      %lt3A = arith.cmpi slt, %mul3A_185, %shift_right_logical3A_125 : i32
      %convert_element_type3A_186 = arith.extui %lt3A : i1 to i32
      %cond3A_187 = arith.constant 0 : i32
      %cond3A_188 = arith.cmpi ne, %convert_element_type3A_186, %cond3A_187 : i32
      scf.if %cond3A_188 {
        %dma_wait3A_196 = arith.constant 0 : i32
        %dma_wait3A_197 = arith.constant 0 : i32
        %dma_wait3A_198 = tpu.memref_slice %arg12[%dma_wait3A_196, %dma_wait3A_197] : memref<50x128xi32, #tpu.memory_space<vmem>> -> memref<1x128xi32, #tpu.memory_space<vmem>>
        %dma_wait3A_199 = tpu.memref_squeeze %dma_wait3A_198 : memref<1x128xi32, #tpu.memory_space<vmem>> -> memref<128xi32, #tpu.memory_space<vmem>>
        %dma_wait3A_200 = arith.constant 0 : i32
        %dma_wait3A_201 = arith.constant 0 : i32
        %dma_wait3A_202 = tpu.memref_slice %arg4[%dma_wait3A_200, %dma_wait3A_201] : memref<180000x32xf32, #tpu.memory_space<hbm>> -> memref<180000x32xf32, #tpu.memory_space<hbm>>
        tpu.wait_indirect_dma semaphore(%arg22 : memref<!tpu.dma_semaphore, #tpu.memory_space<semaphore_mem>>) src(%dma_wait3A_202 : memref<180000x32xf32, #tpu.memory_space<hbm>>) dst(%arg20 : memref<128x32xf32, #tpu.memory_space<vmem>>)
        "tpu.region"() ({
          %run_scoped3A = tpu.sem_alloc : memref<!tpu.dma_semaphore, #tpu.memory_space<semaphore_mem>>
          %dma_start3A_209 = arith.constant 0 : i32
          %dma_start3A_210 = tpu.memref_slice %arg13[%mul3A_185, %dma_start3A_209] : memref<50x128xi32, #tpu.memory_space<vmem>> -> memref<1x128xi32, #tpu.memory_space<vmem>>
          %dma_start3A_211 = tpu.memref_squeeze %dma_start3A_210 : memref<1x128xi32, #tpu.memory_space<vmem>> -> memref<128xi32, #tpu.memory_space<vmem>>
          %dma_start3A_212 = arith.constant 0 : i32
          %dma_start3A_213 = arith.constant 0 : i32
          %dma_start3A_214 = tpu.memref_slice %arg7[%dma_start3A_212, %dma_start3A_213] : memref<204808x32xf32, #tpu.memory_space<hbm>> -> memref<204808x32xf32, #tpu.memory_space<hbm>>
          tpu.enqueue_indirect_dma source(%arg20 : memref<128x32xf32, #tpu.memory_space<vmem>>) target(%dma_start3A_214 : memref<204808x32xf32, #tpu.memory_space<hbm>>) offsets(%dma_start3A_211 : memref<128xi32, #tpu.memory_space<vmem>>) semaphore(%run_scoped3A : memref<!tpu.dma_semaphore, #tpu.memory_space<semaphore_mem>>)
          %dma_wait3A_215 = arith.constant 0 : i32
          %dma_wait3A_216 = tpu.memref_slice %arg13[%mul3A_185, %dma_wait3A_215] : memref<50x128xi32, #tpu.memory_space<vmem>> -> memref<1x128xi32, #tpu.memory_space<vmem>>
          %dma_wait3A_217 = tpu.memref_squeeze %dma_wait3A_216 : memref<1x128xi32, #tpu.memory_space<vmem>> -> memref<128xi32, #tpu.memory_space<vmem>>
          %dma_wait3A_218 = arith.constant 0 : i32
          %dma_wait3A_219 = arith.constant 0 : i32
          %dma_wait3A_220 = tpu.memref_slice %arg7[%dma_wait3A_218, %dma_wait3A_219] : memref<204808x32xf32, #tpu.memory_space<hbm>> -> memref<204808x32xf32, #tpu.memory_space<hbm>>
          tpu.wait_indirect_dma semaphore(%run_scoped3A : memref<!tpu.dma_semaphore, #tpu.memory_space<semaphore_mem>>) src(%arg20 : memref<128x32xf32, #tpu.memory_space<vmem>>) dst(%dma_wait3A_220 : memref<204808x32xf32, #tpu.memory_space<hbm>>)
          tpu.yield
        }) : () -> ()
        %add3A_203 = arith.constant 2 : i32
        %add3A_204 = arith.addi %mul3A_185, %add3A_203 : i32
        %lt3A_205 = arith.cmpi slt, %add3A_204, %shift_right_logical3A_125 : i32
        %convert_element_type3A_206 = arith.extui %lt3A_205 : i1 to i32
        %cond3A_207 = arith.constant 0 : i32
        %cond3A_208 = arith.cmpi ne, %convert_element_type3A_206, %cond3A_207 : i32
        scf.if %cond3A_208 {
          %add3A_209 = arith.constant 2 : i32
          %add3A_210 = arith.addi %mul3A_185, %add3A_209 : i32
          %dma_start3A_211 = arith.constant 0 : i32
          %dma_start3A_212 = tpu.memref_slice %arg12[%add3A_210, %dma_start3A_211] : memref<50x128xi32, #tpu.memory_space<vmem>> -> memref<1x128xi32, #tpu.memory_space<vmem>>
          %dma_start3A_213 = tpu.memref_squeeze %dma_start3A_212 : memref<1x128xi32, #tpu.memory_space<vmem>> -> memref<128xi32, #tpu.memory_space<vmem>>
          %dma_start3A_214 = arith.constant 0 : i32
          %dma_start3A_215 = arith.constant 0 : i32
          %dma_start3A_216 = tpu.memref_slice %arg4[%dma_start3A_214, %dma_start3A_215] : memref<180000x32xf32, #tpu.memory_space<hbm>> -> memref<180000x32xf32, #tpu.memory_space<hbm>>
          tpu.enqueue_indirect_dma source(%dma_start3A_216 : memref<180000x32xf32, #tpu.memory_space<hbm>>) target(%arg20 : memref<128x32xf32, #tpu.memory_space<vmem>>) offsets(%dma_start3A_213 : memref<128xi32, #tpu.memory_space<vmem>>) semaphore(%arg22 : memref<!tpu.dma_semaphore, #tpu.memory_space<semaphore_mem>>)
        } else {
        }
      } else {
      }
      %add3A_189 = arith.constant 1 : i32
      %add3A_190 = arith.addi %mul3A_185, %add3A_189 : i32
      %lt3A_191 = arith.cmpi slt, %add3A_190, %shift_right_logical3A_125 : i32
      %convert_element_type3A_192 = arith.extui %lt3A_191 : i1 to i32
      %cond3A_193 = arith.constant 0 : i32
      %cond3A_194 = arith.cmpi ne, %convert_element_type3A_192, %cond3A_193 : i32
      scf.if %cond3A_194 {
        %add3A_196 = arith.constant 1 : i32
        %add3A_197 = arith.addi %mul3A_185, %add3A_196 : i32
        %dma_wait3A_198 = arith.constant 0 : i32
        %dma_wait3A_199 = arith.constant 0 : i32
        %dma_wait3A_200 = tpu.memref_slice %arg12[%dma_wait3A_198, %dma_wait3A_199] : memref<50x128xi32, #tpu.memory_space<vmem>> -> memref<1x128xi32, #tpu.memory_space<vmem>>
        %dma_wait3A_201 = tpu.memref_squeeze %dma_wait3A_200 : memref<1x128xi32, #tpu.memory_space<vmem>> -> memref<128xi32, #tpu.memory_space<vmem>>
        %dma_wait3A_202 = arith.constant 0 : i32
        %dma_wait3A_203 = arith.constant 0 : i32
        %dma_wait3A_204 = tpu.memref_slice %arg4[%dma_wait3A_202, %dma_wait3A_203] : memref<180000x32xf32, #tpu.memory_space<hbm>> -> memref<180000x32xf32, #tpu.memory_space<hbm>>
        tpu.wait_indirect_dma semaphore(%arg23 : memref<!tpu.dma_semaphore, #tpu.memory_space<semaphore_mem>>) src(%dma_wait3A_204 : memref<180000x32xf32, #tpu.memory_space<hbm>>) dst(%arg21 : memref<128x32xf32, #tpu.memory_space<vmem>>)
        "tpu.region"() ({
          %run_scoped3A = tpu.sem_alloc : memref<!tpu.dma_semaphore, #tpu.memory_space<semaphore_mem>>
          %dma_start3A_211 = arith.constant 0 : i32
          %dma_start3A_212 = tpu.memref_slice %arg13[%add3A_197, %dma_start3A_211] : memref<50x128xi32, #tpu.memory_space<vmem>> -> memref<1x128xi32, #tpu.memory_space<vmem>>
          %dma_start3A_213 = tpu.memref_squeeze %dma_start3A_212 : memref<1x128xi32, #tpu.memory_space<vmem>> -> memref<128xi32, #tpu.memory_space<vmem>>
          %dma_start3A_214 = arith.constant 0 : i32
          %dma_start3A_215 = arith.constant 0 : i32
          %dma_start3A_216 = tpu.memref_slice %arg7[%dma_start3A_214, %dma_start3A_215] : memref<204808x32xf32, #tpu.memory_space<hbm>> -> memref<204808x32xf32, #tpu.memory_space<hbm>>
          tpu.enqueue_indirect_dma source(%arg21 : memref<128x32xf32, #tpu.memory_space<vmem>>) target(%dma_start3A_216 : memref<204808x32xf32, #tpu.memory_space<hbm>>) offsets(%dma_start3A_213 : memref<128xi32, #tpu.memory_space<vmem>>) semaphore(%run_scoped3A : memref<!tpu.dma_semaphore, #tpu.memory_space<semaphore_mem>>)
          %dma_wait3A_217 = arith.constant 0 : i32
          %dma_wait3A_218 = tpu.memref_slice %arg13[%add3A_197, %dma_wait3A_217] : memref<50x128xi32, #tpu.memory_space<vmem>> -> memref<1x128xi32, #tpu.memory_space<vmem>>
          %dma_wait3A_219 = tpu.memref_squeeze %dma_wait3A_218 : memref<1x128xi32, #tpu.memory_space<vmem>> -> memref<128xi32, #tpu.memory_space<vmem>>
          %dma_wait3A_220 = arith.constant 0 : i32
          %dma_wait3A_221 = arith.constant 0 : i32
          %dma_wait3A_222 = tpu.memref_slice %arg7[%dma_wait3A_220, %dma_wait3A_221] : memref<204808x32xf32, #tpu.memory_space<hbm>> -> memref<204808x32xf32, #tpu.memory_space<hbm>>
          tpu.wait_indirect_dma semaphore(%run_scoped3A : memref<!tpu.dma_semaphore, #tpu.memory_space<semaphore_mem>>) src(%arg21 : memref<128x32xf32, #tpu.memory_space<vmem>>) dst(%dma_wait3A_222 : memref<204808x32xf32, #tpu.memory_space<hbm>>)
          tpu.yield
        }) : () -> ()
        %add3A_205 = arith.constant 3 : i32
        %add3A_206 = arith.addi %mul3A_185, %add3A_205 : i32
        %lt3A_207 = arith.cmpi slt, %add3A_206, %shift_right_logical3A_125 : i32
        %convert_element_type3A_208 = arith.extui %lt3A_207 : i1 to i32
        %cond3A_209 = arith.constant 0 : i32
        %cond3A_210 = arith.cmpi ne, %convert_element_type3A_208, %cond3A_209 : i32
        scf.if %cond3A_210 {
          %add3A_211 = arith.constant 3 : i32
          %add3A_212 = arith.addi %mul3A_185, %add3A_211 : i32
          %dma_start3A_213 = arith.constant 0 : i32
          %dma_start3A_214 = tpu.memref_slice %arg12[%add3A_212, %dma_start3A_213] : memref<50x128xi32, #tpu.memory_space<vmem>> -> memref<1x128xi32, #tpu.memory_space<vmem>>
          %dma_start3A_215 = tpu.memref_squeeze %dma_start3A_214 : memref<1x128xi32, #tpu.memory_space<vmem>> -> memref<128xi32, #tpu.memory_space<vmem>>
          %dma_start3A_216 = arith.constant 0 : i32
          %dma_start3A_217 = arith.constant 0 : i32
          %dma_start3A_218 = tpu.memref_slice %arg4[%dma_start3A_216, %dma_start3A_217] : memref<180000x32xf32, #tpu.memory_space<hbm>> -> memref<180000x32xf32, #tpu.memory_space<hbm>>
          tpu.enqueue_indirect_dma source(%dma_start3A_218 : memref<180000x32xf32, #tpu.memory_space<hbm>>) target(%arg21 : memref<128x32xf32, #tpu.memory_space<vmem>>) offsets(%dma_start3A_215 : memref<128xi32, #tpu.memory_space<vmem>>) semaphore(%arg23 : memref<!tpu.dma_semaphore, #tpu.memory_space<semaphore_mem>>)
        } else {
        }
      } else {
      }
      %while3A_195 = arith.constant 0 : i32
      scf.yield %while3A_195 : i32
    }
    %add3A_152 = arith.constant 127 : i32
    %add3A_153 = arith.addi %reduce_max3A_96, %add3A_152 : i32
    %shift_right_logical3A_154 = arith.constant 7 : i32
    %shift_right_logical3A_155 = arith.shrui %add3A_153, %shift_right_logical3A_154 : i32
    %gt3A_156 = arith.constant 0 : i32
    %gt3A_157 = arith.cmpi sgt, %shift_right_logical3A_155, %gt3A_156 : i32
    %convert_element_type3A_158 = arith.extui %gt3A_157 : i1 to i32
    %cond3A_159 = arith.constant 0 : i32
    %cond3A_160 = arith.cmpi ne, %convert_element_type3A_158, %cond3A_159 : i32
    scf.if %cond3A_160 {
      %dma_start3A_182 = arith.constant 0 : i32
      %dma_start3A_183 = arith.constant 0 : i32
      %dma_start3A_184 = tpu.memref_slice %arg14[%dma_start3A_182, %dma_start3A_183] : memref<50x128xi32, #tpu.memory_space<vmem>> -> memref<1x128xi32, #tpu.memory_space<vmem>>
      %dma_start3A_185 = tpu.memref_squeeze %dma_start3A_184 : memref<1x128xi32, #tpu.memory_space<vmem>> -> memref<128xi32, #tpu.memory_space<vmem>>
      %dma_start3A_186 = arith.constant 0 : i32
      %dma_start3A_187 = arith.constant 0 : i32
      %dma_start3A_188 = tpu.memref_slice %arg5[%dma_start3A_186, %dma_start3A_187] : memref<800000x8xf32, #tpu.memory_space<hbm>> -> memref<800000x8xf32, #tpu.memory_space<hbm>>
      tpu.enqueue_indirect_dma source(%dma_start3A_188 : memref<800000x8xf32, #tpu.memory_space<hbm>>) target(%arg24 : memref<128x8xf32, #tpu.memory_space<vmem>>) offsets(%dma_start3A_185 : memref<128xi32, #tpu.memory_space<vmem>>) semaphore(%arg26 : memref<!tpu.dma_semaphore, #tpu.memory_space<semaphore_mem>>)
    } else {
    }
    %gt3A_161 = arith.constant 1 : i32
    %gt3A_162 = arith.cmpi sgt, %shift_right_logical3A_155, %gt3A_161 : i32
    %convert_element_type3A_163 = arith.extui %gt3A_162 : i1 to i32
    %cond3A_164 = arith.constant 0 : i32
    %cond3A_165 = arith.cmpi ne, %convert_element_type3A_163, %cond3A_164 : i32
    scf.if %cond3A_165 {
      %dma_start3A_182 = arith.constant 1 : i32
      %dma_start3A_183 = arith.constant 0 : i32
      %dma_start3A_184 = tpu.memref_slice %arg14[%dma_start3A_182, %dma_start3A_183] : memref<50x128xi32, #tpu.memory_space<vmem>> -> memref<1x128xi32, #tpu.memory_space<vmem>>
      %dma_start3A_185 = tpu.memref_squeeze %dma_start3A_184 : memref<1x128xi32, #tpu.memory_space<vmem>> -> memref<128xi32, #tpu.memory_space<vmem>>
      %dma_start3A_186 = arith.constant 0 : i32
      %dma_start3A_187 = arith.constant 0 : i32
      %dma_start3A_188 = tpu.memref_slice %arg5[%dma_start3A_186, %dma_start3A_187] : memref<800000x8xf32, #tpu.memory_space<hbm>> -> memref<800000x8xf32, #tpu.memory_space<hbm>>
      tpu.enqueue_indirect_dma source(%dma_start3A_188 : memref<800000x8xf32, #tpu.memory_space<hbm>>) target(%arg25 : memref<128x8xf32, #tpu.memory_space<vmem>>) offsets(%dma_start3A_185 : memref<128xi32, #tpu.memory_space<vmem>>) semaphore(%arg27 : memref<!tpu.dma_semaphore, #tpu.memory_space<semaphore_mem>>)
    } else {
    }
    %add3A_166 = arith.constant 1 : i32
    %add3A_167 = arith.addi %shift_right_logical3A_155, %add3A_166 : i32
    %shift_right_logical3A_168 = arith.constant 1 : i32
    %shift_right_logical3A_169 = arith.shrui %add3A_167, %shift_right_logical3A_168 : i32
    %while3A_170 = arith.constant 0 : i32
    %while3A_171 = arith.constant 0 : i32
    %while3A_172 = arith.subi %shift_right_logical3A_169, %while3A_170 : i32
    %while3A_173 = arith.addi %while3A_170, %while3A_172 : i32
    %while3A_174 = arith.constant 1 : i32
    %while3A_175 = arith.divsi %while3A_172, %while3A_174 : i32
    %while3A_176 = arith.muli %while3A_175, %while3A_174 : i32
    %while3A_177 = arith.addi %while3A_170, %while3A_176 : i32
    %while3A_178 = arith.constant 1 : i32
    %while3A_179 = scf.for %while3A_182 = %while3A_170 to %while3A_177 step %while3A_178 iter_args(%while3A_183 = %while3A_171) -> (i32)  : i32 {
      %mul3A_184 = arith.constant 2 : i32
      %mul3A_185 = arith.muli %while3A_182, %mul3A_184 : i32
      %lt3A = arith.cmpi slt, %mul3A_185, %shift_right_logical3A_155 : i32
      %convert_element_type3A_186 = arith.extui %lt3A : i1 to i32
      %cond3A_187 = arith.constant 0 : i32
      %cond3A_188 = arith.cmpi ne, %convert_element_type3A_186, %cond3A_187 : i32
      scf.if %cond3A_188 {
        %dma_wait3A_196 = arith.constant 0 : i32
        %dma_wait3A_197 = arith.constant 0 : i32
        %dma_wait3A_198 = tpu.memref_slice %arg14[%dma_wait3A_196, %dma_wait3A_197] : memref<50x128xi32, #tpu.memory_space<vmem>> -> memref<1x128xi32, #tpu.memory_space<vmem>>
        %dma_wait3A_199 = tpu.memref_squeeze %dma_wait3A_198 : memref<1x128xi32, #tpu.memory_space<vmem>> -> memref<128xi32, #tpu.memory_space<vmem>>
        %dma_wait3A_200 = arith.constant 0 : i32
        %dma_wait3A_201 = arith.constant 0 : i32
        %dma_wait3A_202 = tpu.memref_slice %arg5[%dma_wait3A_200, %dma_wait3A_201] : memref<800000x8xf32, #tpu.memory_space<hbm>> -> memref<800000x8xf32, #tpu.memory_space<hbm>>
        tpu.wait_indirect_dma semaphore(%arg26 : memref<!tpu.dma_semaphore, #tpu.memory_space<semaphore_mem>>) src(%dma_wait3A_202 : memref<800000x8xf32, #tpu.memory_space<hbm>>) dst(%arg24 : memref<128x8xf32, #tpu.memory_space<vmem>>)
        "tpu.region"() ({
          %run_scoped3A = tpu.sem_alloc : memref<!tpu.dma_semaphore, #tpu.memory_space<semaphore_mem>>
          %dma_start3A_209 = arith.constant 0 : i32
          %dma_start3A_210 = tpu.memref_slice %arg15[%mul3A_185, %dma_start3A_209] : memref<50x128xi32, #tpu.memory_space<vmem>> -> memref<1x128xi32, #tpu.memory_space<vmem>>
          %dma_start3A_211 = tpu.memref_squeeze %dma_start3A_210 : memref<1x128xi32, #tpu.memory_space<vmem>> -> memref<128xi32, #tpu.memory_space<vmem>>
          %dma_start3A_212 = arith.constant 0 : i32
          %dma_start3A_213 = arith.constant 0 : i32
          %dma_start3A_214 = tpu.memref_slice %arg8[%dma_start3A_212, %dma_start3A_213] : memref<204808x8xf32, #tpu.memory_space<hbm>> -> memref<204808x8xf32, #tpu.memory_space<hbm>>
          tpu.enqueue_indirect_dma source(%arg24 : memref<128x8xf32, #tpu.memory_space<vmem>>) target(%dma_start3A_214 : memref<204808x8xf32, #tpu.memory_space<hbm>>) offsets(%dma_start3A_211 : memref<128xi32, #tpu.memory_space<vmem>>) semaphore(%run_scoped3A : memref<!tpu.dma_semaphore, #tpu.memory_space<semaphore_mem>>)
          %dma_wait3A_215 = arith.constant 0 : i32
          %dma_wait3A_216 = tpu.memref_slice %arg15[%mul3A_185, %dma_wait3A_215] : memref<50x128xi32, #tpu.memory_space<vmem>> -> memref<1x128xi32, #tpu.memory_space<vmem>>
          %dma_wait3A_217 = tpu.memref_squeeze %dma_wait3A_216 : memref<1x128xi32, #tpu.memory_space<vmem>> -> memref<128xi32, #tpu.memory_space<vmem>>
          %dma_wait3A_218 = arith.constant 0 : i32
          %dma_wait3A_219 = arith.constant 0 : i32
          %dma_wait3A_220 = tpu.memref_slice %arg8[%dma_wait3A_218, %dma_wait3A_219] : memref<204808x8xf32, #tpu.memory_space<hbm>> -> memref<204808x8xf32, #tpu.memory_space<hbm>>
          tpu.wait_indirect_dma semaphore(%run_scoped3A : memref<!tpu.dma_semaphore, #tpu.memory_space<semaphore_mem>>) src(%arg24 : memref<128x8xf32, #tpu.memory_space<vmem>>) dst(%dma_wait3A_220 : memref<204808x8xf32, #tpu.memory_space<hbm>>)
          tpu.yield
        }) : () -> ()
        %add3A_203 = arith.constant 2 : i32
        %add3A_204 = arith.addi %mul3A_185, %add3A_203 : i32
        %lt3A_205 = arith.cmpi slt, %add3A_204, %shift_right_logical3A_155 : i32
        %convert_element_type3A_206 = arith.extui %lt3A_205 : i1 to i32
        %cond3A_207 = arith.constant 0 : i32
        %cond3A_208 = arith.cmpi ne, %convert_element_type3A_206, %cond3A_207 : i32
        scf.if %cond3A_208 {
          %add3A_209 = arith.constant 2 : i32
          %add3A_210 = arith.addi %mul3A_185, %add3A_209 : i32
          %dma_start3A_211 = arith.constant 0 : i32
          %dma_start3A_212 = tpu.memref_slice %arg14[%add3A_210, %dma_start3A_211] : memref<50x128xi32, #tpu.memory_space<vmem>> -> memref<1x128xi32, #tpu.memory_space<vmem>>
          %dma_start3A_213 = tpu.memref_squeeze %dma_start3A_212 : memref<1x128xi32, #tpu.memory_space<vmem>> -> memref<128xi32, #tpu.memory_space<vmem>>
          %dma_start3A_214 = arith.constant 0 : i32
          %dma_start3A_215 = arith.constant 0 : i32
          %dma_start3A_216 = tpu.memref_slice %arg5[%dma_start3A_214, %dma_start3A_215] : memref<800000x8xf32, #tpu.memory_space<hbm>> -> memref<800000x8xf32, #tpu.memory_space<hbm>>
          tpu.enqueue_indirect_dma source(%dma_start3A_216 : memref<800000x8xf32, #tpu.memory_space<hbm>>) target(%arg24 : memref<128x8xf32, #tpu.memory_space<vmem>>) offsets(%dma_start3A_213 : memref<128xi32, #tpu.memory_space<vmem>>) semaphore(%arg26 : memref<!tpu.dma_semaphore, #tpu.memory_space<semaphore_mem>>)
        } else {
        }
      } else {
      }
      %add3A_189 = arith.constant 1 : i32
      %add3A_190 = arith.addi %mul3A_185, %add3A_189 : i32
      %lt3A_191 = arith.cmpi slt, %add3A_190, %shift_right_logical3A_155 : i32
      %convert_element_type3A_192 = arith.extui %lt3A_191 : i1 to i32
      %cond3A_193 = arith.constant 0 : i32
      %cond3A_194 = arith.cmpi ne, %convert_element_type3A_192, %cond3A_193 : i32
      scf.if %cond3A_194 {
        %add3A_196 = arith.constant 1 : i32
        %add3A_197 = arith.addi %mul3A_185, %add3A_196 : i32
        %dma_wait3A_198 = arith.constant 0 : i32
        %dma_wait3A_199 = arith.constant 0 : i32
        %dma_wait3A_200 = tpu.memref_slice %arg14[%dma_wait3A_198, %dma_wait3A_199] : memref<50x128xi32, #tpu.memory_space<vmem>> -> memref<1x128xi32, #tpu.memory_space<vmem>>
        %dma_wait3A_201 = tpu.memref_squeeze %dma_wait3A_200 : memref<1x128xi32, #tpu.memory_space<vmem>> -> memref<128xi32, #tpu.memory_space<vmem>>
        %dma_wait3A_202 = arith.constant 0 : i32
        %dma_wait3A_203 = arith.constant 0 : i32
        %dma_wait3A_204 = tpu.memref_slice %arg5[%dma_wait3A_202, %dma_wait3A_203] : memref<800000x8xf32, #tpu.memory_space<hbm>> -> memref<800000x8xf32, #tpu.memory_space<hbm>>
        tpu.wait_indirect_dma semaphore(%arg27 : memref<!tpu.dma_semaphore, #tpu.memory_space<semaphore_mem>>) src(%dma_wait3A_204 : memref<800000x8xf32, #tpu.memory_space<hbm>>) dst(%arg25 : memref<128x8xf32, #tpu.memory_space<vmem>>)
        "tpu.region"() ({
          %run_scoped3A = tpu.sem_alloc : memref<!tpu.dma_semaphore, #tpu.memory_space<semaphore_mem>>
          %dma_start3A_211 = arith.constant 0 : i32
          %dma_start3A_212 = tpu.memref_slice %arg15[%add3A_197, %dma_start3A_211] : memref<50x128xi32, #tpu.memory_space<vmem>> -> memref<1x128xi32, #tpu.memory_space<vmem>>
          %dma_start3A_213 = tpu.memref_squeeze %dma_start3A_212 : memref<1x128xi32, #tpu.memory_space<vmem>> -> memref<128xi32, #tpu.memory_space<vmem>>
          %dma_start3A_214 = arith.constant 0 : i32
          %dma_start3A_215 = arith.constant 0 : i32
          %dma_start3A_216 = tpu.memref_slice %arg8[%dma_start3A_214, %dma_start3A_215] : memref<204808x8xf32, #tpu.memory_space<hbm>> -> memref<204808x8xf32, #tpu.memory_space<hbm>>
          tpu.enqueue_indirect_dma source(%arg25 : memref<128x8xf32, #tpu.memory_space<vmem>>) target(%dma_start3A_216 : memref<204808x8xf32, #tpu.memory_space<hbm>>) offsets(%dma_start3A_213 : memref<128xi32, #tpu.memory_space<vmem>>) semaphore(%run_scoped3A : memref<!tpu.dma_semaphore, #tpu.memory_space<semaphore_mem>>)
          %dma_wait3A_217 = arith.constant 0 : i32
          %dma_wait3A_218 = tpu.memref_slice %arg15[%add3A_197, %dma_wait3A_217] : memref<50x128xi32, #tpu.memory_space<vmem>> -> memref<1x128xi32, #tpu.memory_space<vmem>>
          %dma_wait3A_219 = tpu.memref_squeeze %dma_wait3A_218 : memref<1x128xi32, #tpu.memory_space<vmem>> -> memref<128xi32, #tpu.memory_space<vmem>>
          %dma_wait3A_220 = arith.constant 0 : i32
          %dma_wait3A_221 = arith.constant 0 : i32
          %dma_wait3A_222 = tpu.memref_slice %arg8[%dma_wait3A_220, %dma_wait3A_221] : memref<204808x8xf32, #tpu.memory_space<hbm>> -> memref<204808x8xf32, #tpu.memory_space<hbm>>
          tpu.wait_indirect_dma semaphore(%run_scoped3A : memref<!tpu.dma_semaphore, #tpu.memory_space<semaphore_mem>>) src(%arg25 : memref<128x8xf32, #tpu.memory_space<vmem>>) dst(%dma_wait3A_222 : memref<204808x8xf32, #tpu.memory_space<hbm>>)
          tpu.yield
        }) : () -> ()
        %add3A_205 = arith.constant 3 : i32
        %add3A_206 = arith.addi %mul3A_185, %add3A_205 : i32
        %lt3A_207 = arith.cmpi slt, %add3A_206, %shift_right_logical3A_155 : i32
        %convert_element_type3A_208 = arith.extui %lt3A_207 : i1 to i32
        %cond3A_209 = arith.constant 0 : i32
        %cond3A_210 = arith.cmpi ne, %convert_element_type3A_208, %cond3A_209 : i32
        scf.if %cond3A_210 {
          %add3A_211 = arith.constant 3 : i32
          %add3A_212 = arith.addi %mul3A_185, %add3A_211 : i32
          %dma_start3A_213 = arith.constant 0 : i32
          %dma_start3A_214 = tpu.memref_slice %arg14[%add3A_212, %dma_start3A_213] : memref<50x128xi32, #tpu.memory_space<vmem>> -> memref<1x128xi32, #tpu.memory_space<vmem>>
          %dma_start3A_215 = tpu.memref_squeeze %dma_start3A_214 : memref<1x128xi32, #tpu.memory_space<vmem>> -> memref<128xi32, #tpu.memory_space<vmem>>
          %dma_start3A_216 = arith.constant 0 : i32
          %dma_start3A_217 = arith.constant 0 : i32
          %dma_start3A_218 = tpu.memref_slice %arg5[%dma_start3A_216, %dma_start3A_217] : memref<800000x8xf32, #tpu.memory_space<hbm>> -> memref<800000x8xf32, #tpu.memory_space<hbm>>
          tpu.enqueue_indirect_dma source(%dma_start3A_218 : memref<800000x8xf32, #tpu.memory_space<hbm>>) target(%arg25 : memref<128x8xf32, #tpu.memory_space<vmem>>) offsets(%dma_start3A_215 : memref<128xi32, #tpu.memory_space<vmem>>) semaphore(%arg27 : memref<!tpu.dma_semaphore, #tpu.memory_space<semaphore_mem>>)
        } else {
        }
      } else {
      }
      %while3A_195 = arith.constant 0 : i32
      scf.yield %while3A_195 : i32
    }
    %while3A_180 = arith.constant 1 : i32
    %while3A_181 = scf.for %while3A_182 = %while3A_177 to %while3A_173 step %while3A_180 iter_args(%while3A_183 = %while3A_179) -> (i32)  : i32 {
      %mul3A_184 = arith.constant 2 : i32
      %mul3A_185 = arith.muli %while3A_182, %mul3A_184 : i32
      %lt3A = arith.cmpi slt, %mul3A_185, %shift_right_logical3A_155 : i32
      %convert_element_type3A_186 = arith.extui %lt3A : i1 to i32
      %cond3A_187 = arith.constant 0 : i32
      %cond3A_188 = arith.cmpi ne, %convert_element_type3A_186, %cond3A_187 : i32
      scf.if %cond3A_188 {
        %dma_wait3A_196 = arith.constant 0 : i32
        %dma_wait3A_197 = arith.constant 0 : i32
        %dma_wait3A_198 = tpu.memref_slice %arg14[%dma_wait3A_196, %dma_wait3A_197] : memref<50x128xi32, #tpu.memory_space<vmem>> -> memref<1x128xi32, #tpu.memory_space<vmem>>
        %dma_wait3A_199 = tpu.memref_squeeze %dma_wait3A_198 : memref<1x128xi32, #tpu.memory_space<vmem>> -> memref<128xi32, #tpu.memory_space<vmem>>
        %dma_wait3A_200 = arith.constant 0 : i32
        %dma_wait3A_201 = arith.constant 0 : i32
        %dma_wait3A_202 = tpu.memref_slice %arg5[%dma_wait3A_200, %dma_wait3A_201] : memref<800000x8xf32, #tpu.memory_space<hbm>> -> memref<800000x8xf32, #tpu.memory_space<hbm>>
        tpu.wait_indirect_dma semaphore(%arg26 : memref<!tpu.dma_semaphore, #tpu.memory_space<semaphore_mem>>) src(%dma_wait3A_202 : memref<800000x8xf32, #tpu.memory_space<hbm>>) dst(%arg24 : memref<128x8xf32, #tpu.memory_space<vmem>>)
        "tpu.region"() ({
          %run_scoped3A = tpu.sem_alloc : memref<!tpu.dma_semaphore, #tpu.memory_space<semaphore_mem>>
          %dma_start3A_209 = arith.constant 0 : i32
          %dma_start3A_210 = tpu.memref_slice %arg15[%mul3A_185, %dma_start3A_209] : memref<50x128xi32, #tpu.memory_space<vmem>> -> memref<1x128xi32, #tpu.memory_space<vmem>>
          %dma_start3A_211 = tpu.memref_squeeze %dma_start3A_210 : memref<1x128xi32, #tpu.memory_space<vmem>> -> memref<128xi32, #tpu.memory_space<vmem>>
          %dma_start3A_212 = arith.constant 0 : i32
          %dma_start3A_213 = arith.constant 0 : i32
          %dma_start3A_214 = tpu.memref_slice %arg8[%dma_start3A_212, %dma_start3A_213] : memref<204808x8xf32, #tpu.memory_space<hbm>> -> memref<204808x8xf32, #tpu.memory_space<hbm>>
          tpu.enqueue_indirect_dma source(%arg24 : memref<128x8xf32, #tpu.memory_space<vmem>>) target(%dma_start3A_214 : memref<204808x8xf32, #tpu.memory_space<hbm>>) offsets(%dma_start3A_211 : memref<128xi32, #tpu.memory_space<vmem>>) semaphore(%run_scoped3A : memref<!tpu.dma_semaphore, #tpu.memory_space<semaphore_mem>>)
          %dma_wait3A_215 = arith.constant 0 : i32
          %dma_wait3A_216 = tpu.memref_slice %arg15[%mul3A_185, %dma_wait3A_215] : memref<50x128xi32, #tpu.memory_space<vmem>> -> memref<1x128xi32, #tpu.memory_space<vmem>>
          %dma_wait3A_217 = tpu.memref_squeeze %dma_wait3A_216 : memref<1x128xi32, #tpu.memory_space<vmem>> -> memref<128xi32, #tpu.memory_space<vmem>>
          %dma_wait3A_218 = arith.constant 0 : i32
          %dma_wait3A_219 = arith.constant 0 : i32
          %dma_wait3A_220 = tpu.memref_slice %arg8[%dma_wait3A_218, %dma_wait3A_219] : memref<204808x8xf32, #tpu.memory_space<hbm>> -> memref<204808x8xf32, #tpu.memory_space<hbm>>
          tpu.wait_indirect_dma semaphore(%run_scoped3A : memref<!tpu.dma_semaphore, #tpu.memory_space<semaphore_mem>>) src(%arg24 : memref<128x8xf32, #tpu.memory_space<vmem>>) dst(%dma_wait3A_220 : memref<204808x8xf32, #tpu.memory_space<hbm>>)
          tpu.yield
        }) : () -> ()
        %add3A_203 = arith.constant 2 : i32
        %add3A_204 = arith.addi %mul3A_185, %add3A_203 : i32
        %lt3A_205 = arith.cmpi slt, %add3A_204, %shift_right_logical3A_155 : i32
        %convert_element_type3A_206 = arith.extui %lt3A_205 : i1 to i32
        %cond3A_207 = arith.constant 0 : i32
        %cond3A_208 = arith.cmpi ne, %convert_element_type3A_206, %cond3A_207 : i32
        scf.if %cond3A_208 {
          %add3A_209 = arith.constant 2 : i32
          %add3A_210 = arith.addi %mul3A_185, %add3A_209 : i32
          %dma_start3A_211 = arith.constant 0 : i32
          %dma_start3A_212 = tpu.memref_slice %arg14[%add3A_210, %dma_start3A_211] : memref<50x128xi32, #tpu.memory_space<vmem>> -> memref<1x128xi32, #tpu.memory_space<vmem>>
          %dma_start3A_213 = tpu.memref_squeeze %dma_start3A_212 : memref<1x128xi32, #tpu.memory_space<vmem>> -> memref<128xi32, #tpu.memory_space<vmem>>
          %dma_start3A_214 = arith.constant 0 : i32
          %dma_start3A_215 = arith.constant 0 : i32
          %dma_start3A_216 = tpu.memref_slice %arg5[%dma_start3A_214, %dma_start3A_215] : memref<800000x8xf32, #tpu.memory_space<hbm>> -> memref<800000x8xf32, #tpu.memory_space<hbm>>
          tpu.enqueue_indirect_dma source(%dma_start3A_216 : memref<800000x8xf32, #tpu.memory_space<hbm>>) target(%arg24 : memref<128x8xf32, #tpu.memory_space<vmem>>) offsets(%dma_start3A_213 : memref<128xi32, #tpu.memory_space<vmem>>) semaphore(%arg26 : memref<!tpu.dma_semaphore, #tpu.memory_space<semaphore_mem>>)
        } else {
        }
      } else {
      }
      %add3A_189 = arith.constant 1 : i32
      %add3A_190 = arith.addi %mul3A_185, %add3A_189 : i32
      %lt3A_191 = arith.cmpi slt, %add3A_190, %shift_right_logical3A_155 : i32
      %convert_element_type3A_192 = arith.extui %lt3A_191 : i1 to i32
      %cond3A_193 = arith.constant 0 : i32
      %cond3A_194 = arith.cmpi ne, %convert_element_type3A_192, %cond3A_193 : i32
      scf.if %cond3A_194 {
        %add3A_196 = arith.constant 1 : i32
        %add3A_197 = arith.addi %mul3A_185, %add3A_196 : i32
        %dma_wait3A_198 = arith.constant 0 : i32
        %dma_wait3A_199 = arith.constant 0 : i32
        %dma_wait3A_200 = tpu.memref_slice %arg14[%dma_wait3A_198, %dma_wait3A_199] : memref<50x128xi32, #tpu.memory_space<vmem>> -> memref<1x128xi32, #tpu.memory_space<vmem>>
        %dma_wait3A_201 = tpu.memref_squeeze %dma_wait3A_200 : memref<1x128xi32, #tpu.memory_space<vmem>> -> memref<128xi32, #tpu.memory_space<vmem>>
        %dma_wait3A_202 = arith.constant 0 : i32
        %dma_wait3A_203 = arith.constant 0 : i32
        %dma_wait3A_204 = tpu.memref_slice %arg5[%dma_wait3A_202, %dma_wait3A_203] : memref<800000x8xf32, #tpu.memory_space<hbm>> -> memref<800000x8xf32, #tpu.memory_space<hbm>>
        tpu.wait_indirect_dma semaphore(%arg27 : memref<!tpu.dma_semaphore, #tpu.memory_space<semaphore_mem>>) src(%dma_wait3A_204 : memref<800000x8xf32, #tpu.memory_space<hbm>>) dst(%arg25 : memref<128x8xf32, #tpu.memory_space<vmem>>)
        "tpu.region"() ({
          %run_scoped3A = tpu.sem_alloc : memref<!tpu.dma_semaphore, #tpu.memory_space<semaphore_mem>>
          %dma_start3A_211 = arith.constant 0 : i32
          %dma_start3A_212 = tpu.memref_slice %arg15[%add3A_197, %dma_start3A_211] : memref<50x128xi32, #tpu.memory_space<vmem>> -> memref<1x128xi32, #tpu.memory_space<vmem>>
          %dma_start3A_213 = tpu.memref_squeeze %dma_start3A_212 : memref<1x128xi32, #tpu.memory_space<vmem>> -> memref<128xi32, #tpu.memory_space<vmem>>
          %dma_start3A_214 = arith.constant 0 : i32
          %dma_start3A_215 = arith.constant 0 : i32
          %dma_start3A_216 = tpu.memref_slice %arg8[%dma_start3A_214, %dma_start3A_215] : memref<204808x8xf32, #tpu.memory_space<hbm>> -> memref<204808x8xf32, #tpu.memory_space<hbm>>
          tpu.enqueue_indirect_dma source(%arg25 : memref<128x8xf32, #tpu.memory_space<vmem>>) target(%dma_start3A_216 : memref<204808x8xf32, #tpu.memory_space<hbm>>) offsets(%dma_start3A_213 : memref<128xi32, #tpu.memory_space<vmem>>) semaphore(%run_scoped3A : memref<!tpu.dma_semaphore, #tpu.memory_space<semaphore_mem>>)
          %dma_wait3A_217 = arith.constant 0 : i32
          %dma_wait3A_218 = tpu.memref_slice %arg15[%add3A_197, %dma_wait3A_217] : memref<50x128xi32, #tpu.memory_space<vmem>> -> memref<1x128xi32, #tpu.memory_space<vmem>>
          %dma_wait3A_219 = tpu.memref_squeeze %dma_wait3A_218 : memref<1x128xi32, #tpu.memory_space<vmem>> -> memref<128xi32, #tpu.memory_space<vmem>>
          %dma_wait3A_220 = arith.constant 0 : i32
          %dma_wait3A_221 = arith.constant 0 : i32
          %dma_wait3A_222 = tpu.memref_slice %arg8[%dma_wait3A_220, %dma_wait3A_221] : memref<204808x8xf32, #tpu.memory_space<hbm>> -> memref<204808x8xf32, #tpu.memory_space<hbm>>
          tpu.wait_indirect_dma semaphore(%run_scoped3A : memref<!tpu.dma_semaphore, #tpu.memory_space<semaphore_mem>>) src(%arg25 : memref<128x8xf32, #tpu.memory_space<vmem>>) dst(%dma_wait3A_222 : memref<204808x8xf32, #tpu.memory_space<hbm>>)
          tpu.yield
        }) : () -> ()
        %add3A_205 = arith.constant 3 : i32
        %add3A_206 = arith.addi %mul3A_185, %add3A_205 : i32
        %lt3A_207 = arith.cmpi slt, %add3A_206, %shift_right_logical3A_155 : i32
        %convert_element_type3A_208 = arith.extui %lt3A_207 : i1 to i32
        %cond3A_209 = arith.constant 0 : i32
        %cond3A_210 = arith.cmpi ne, %convert_element_type3A_208, %cond3A_209 : i32
        scf.if %cond3A_210 {
          %add3A_211 = arith.constant 3 : i32
          %add3A_212 = arith.addi %mul3A_185, %add3A_211 : i32
          %dma_start3A_213 = arith.constant 0 : i32
          %dma_start3A_214 = tpu.memref_slice %arg14[%add3A_212, %dma_start3A_213] : memref<50x128xi32, #tpu.memory_space<vmem>> -> memref<1x128xi32, #tpu.memory_space<vmem>>
          %dma_start3A_215 = tpu.memref_squeeze %dma_start3A_214 : memref<1x128xi32, #tpu.memory_space<vmem>> -> memref<128xi32, #tpu.memory_space<vmem>>
          %dma_start3A_216 = arith.constant 0 : i32
          %dma_start3A_217 = arith.constant 0 : i32
          %dma_start3A_218 = tpu.memref_slice %arg5[%dma_start3A_216, %dma_start3A_217] : memref<800000x8xf32, #tpu.memory_space<hbm>> -> memref<800000x8xf32, #tpu.memory_space<hbm>>
          tpu.enqueue_indirect_dma source(%dma_start3A_218 : memref<800000x8xf32, #tpu.memory_space<hbm>>) target(%arg25 : memref<128x8xf32, #tpu.memory_space<vmem>>) offsets(%dma_start3A_215 : memref<128xi32, #tpu.memory_space<vmem>>) semaphore(%arg27 : memref<!tpu.dma_semaphore, #tpu.memory_space<semaphore_mem>>)
        } else {
        }
      } else {
      }
      %while3A_195 = arith.constant 0 : i32
      scf.yield %while3A_195 : i32
    }
    return
  }
}

module attributes {stable_mosaic.version = 14 : i64} {
  func.func @_tc_body(%arg0: i32, %arg1: memref<4096x1xi32, #tpu.memory_space<vmem>>, %arg2: memref<4096x128xf32, #tpu.memory_space<vmem>>, %arg3: memref<4096x32xf32, #tpu.memory_space<vmem>>, %arg4: memref<4096x8xf32, #tpu.memory_space<vmem>>, %arg5: memref<128x128xf32, #tpu.memory_space<vmem>>, %arg6: memref<128x32xf32, #tpu.memory_space<vmem>>, %arg7: memref<128x8xf32, #tpu.memory_space<vmem>>, %arg8: memref<4096x128xf32, #tpu.memory_space<vmem>>) attributes {dimension_semantics = [#tpu.dimension_semantics<arbitrary>], iteration_bounds = array<i64: 50>, scalar_prefetch = 0 : i64, scratch_operands = 0 : i64, tpu.core_type = #tpu.core_type<tc>, window_params = [{transform_indices = @transform_0, window_bounds = array<i64: 4096, 1>}, {transform_indices = @transform_1, window_bounds = array<i64: 4096, 128>}, {transform_indices = @transform_2, window_bounds = array<i64: 4096, 32>}, {transform_indices = @transform_3, window_bounds = array<i64: 4096, 8>}, {pipeline_mode = #tpu.pipeline_mode<synchronous>, transform_indices = @transform_4, window_bounds = array<i64: 128, 128>}, {pipeline_mode = #tpu.pipeline_mode<synchronous>, transform_indices = @transform_5, window_bounds = array<i64: 128, 32>}, {pipeline_mode = #tpu.pipeline_mode<synchronous>, transform_indices = @transform_6, window_bounds = array<i64: 128, 8>}, {transform_indices = @transform_7, window_bounds = array<i64: 4096, 128>}]} {
    %get3A = arith.constant 0 : index
    %get3A_0 = arith.constant 0 : index
    %get3A_1 = vector.load %arg1[%get3A, %get3A_0] : memref<4096x1xi32, #tpu.memory_space<vmem>>, vector<4096x1xi32>
    %get3A_2 = arith.constant 0 : index
    %get3A_3 = arith.constant 0 : index
    %get3A_4 = vector.load %arg2[%get3A_2, %get3A_3] : memref<4096x128xf32, #tpu.memory_space<vmem>>, vector<4096x128xf32>
    %get3A_5 = arith.constant 0 : index
    %get3A_6 = arith.constant 0 : index
    %get3A_7 = vector.load %arg5[%get3A_5, %get3A_6] : memref<128x128xf32, #tpu.memory_space<vmem>>, vector<128x128xf32>
    %dot_general3A = arith.constant dense<0.000000e+00> : vector<4096x128xf32>
    %dot_general3A_8 = tpu.matmul %get3A_4, %get3A_7, %dot_general3A {dimension_numbers = #tpu.dot_dimension_numbers<[1], [1], [0], [0], [0, 0, 1, 0], [], []>, transpose_lhs_hint = false} : vector<4096x128xf32>, vector<128x128xf32>, vector<4096x128xf32> -> vector<4096x128xf32>
    %get3A_9 = arith.constant 0 : index
    %get3A_10 = arith.constant 0 : index
    %get3A_11 = vector.load %arg3[%get3A_9, %get3A_10] : memref<4096x32xf32, #tpu.memory_space<vmem>>, vector<4096x32xf32>
    %get3A_12 = arith.constant 0 : index
    %get3A_13 = arith.constant 0 : index
    %get3A_14 = vector.load %arg6[%get3A_12, %get3A_13] : memref<128x32xf32, #tpu.memory_space<vmem>>, vector<128x32xf32>
    %dot_general3A_15 = arith.constant dense<0.000000e+00> : vector<4096x128xf32>
    %dot_general3A_16 = tpu.matmul %get3A_11, %get3A_14, %dot_general3A_15 {dimension_numbers = #tpu.dot_dimension_numbers<[1], [1], [0], [0], [0, 0, 1, 0], [], []>, transpose_lhs_hint = false} : vector<4096x32xf32>, vector<128x32xf32>, vector<4096x128xf32> -> vector<4096x128xf32>
    %get3A_17 = arith.constant 0 : index
    %get3A_18 = arith.constant 0 : index
    %get3A_19 = vector.load %arg4[%get3A_17, %get3A_18] : memref<4096x8xf32, #tpu.memory_space<vmem>>, vector<4096x8xf32>
    %get3A_20 = arith.constant 0 : index
    %get3A_21 = arith.constant 0 : index
    %get3A_22 = vector.load %arg7[%get3A_20, %get3A_21] : memref<128x8xf32, #tpu.memory_space<vmem>>, vector<128x8xf32>
    %dot_general3A_23 = arith.constant dense<0.000000e+00> : vector<4096x128xf32>
    %dot_general3A_24 = tpu.matmul %get3A_19, %get3A_22, %dot_general3A_23 {dimension_numbers = #tpu.dot_dimension_numbers<[1], [1], [0], [0], [0, 0, 1, 0], [], []>, transpose_lhs_hint = false} : vector<4096x8xf32>, vector<128x8xf32>, vector<4096x128xf32> -> vector<4096x128xf32>
    %lt3A = arith.constant 20000 : i32
    %lt3A_25 = vector.broadcast %lt3A : i32 to vector<4096x1xi32>
    %lt3A_26 = arith.cmpi slt, %get3A_1, %lt3A_25 : vector<4096x1xi32>
    %lt3A_27 = arith.constant 200000 : i32
    %lt3A_28 = vector.broadcast %lt3A_27 : i32 to vector<4096x1xi32>
    %lt3A_29 = arith.cmpi slt, %get3A_1, %lt3A_28 : vector<4096x1xi32>
    %broadcast_in_dim3A = vector.shape_cast %lt3A_29 : vector<4096x1xi1> to vector<4096x1xi1>
    %broadcast_in_dim3A_30 = vector.broadcast %broadcast_in_dim3A : vector<4096x1xi1> to vector<4096x128xi1>
    %select_n3A = arith.select %broadcast_in_dim3A_30, %dot_general3A_16, %dot_general3A_24 : vector<4096x128xi1>, vector<4096x128xf32>
    %broadcast_in_dim3A_31 = vector.shape_cast %lt3A_26 : vector<4096x1xi1> to vector<4096x1xi1>
    %broadcast_in_dim3A_32 = vector.broadcast %broadcast_in_dim3A_31 : vector<4096x1xi1> to vector<4096x128xi1>
    %select_n3A_33 = arith.select %broadcast_in_dim3A_32, %dot_general3A_8, %select_n3A : vector<4096x128xi1>, vector<4096x128xf32>
    %mul3A = arith.constant 11.3137083 : f32
    %mul3A_34 = vector.broadcast %mul3A : f32 to vector<4096x128xf32>
    %mul3A_35 = arith.mulf %select_n3A_33, %mul3A_34 : vector<4096x128xf32>
    %swap3A = arith.constant 0 : index
    %swap3A_36 = arith.constant 0 : index
    %swap3A_37 = vector.load %arg8[%swap3A, %swap3A_36] : memref<4096x128xf32, #tpu.memory_space<vmem>>, vector<4096x128xf32>
    tpu.vector_store %arg8[%swap3A, %swap3A_36], %mul3A_35 {strides = array<i32>} : memref<4096x128xf32, #tpu.memory_space<vmem>>, vector<4096x128xf32>,
    return
  }
  func.func @transform_0(%arg0: i32) -> (i32, i32) {
    %c0_i32 = arith.constant 0 : i32
    %c0_i32_0 = arith.constant 0 : i32
    return %arg0, %c0_i32 : i32, i32
  }
  func.func @transform_1(%arg0: i32) -> (i32, i32) {
    %c0_i32 = arith.constant 0 : i32
    %c0_i32_0 = arith.constant 0 : i32
    return %arg0, %c0_i32 : i32, i32
  }
  func.func @transform_2(%arg0: i32) -> (i32, i32) {
    %c0_i32 = arith.constant 0 : i32
    %c0_i32_0 = arith.constant 0 : i32
    return %arg0, %c0_i32 : i32, i32
  }
  func.func @transform_3(%arg0: i32) -> (i32, i32) {
    %c0_i32 = arith.constant 0 : i32
    %c0_i32_0 = arith.constant 0 : i32
    return %arg0, %c0_i32 : i32, i32
  }
  func.func @transform_4(%arg0: i32) -> (i32, i32) {
    %c0_i32 = arith.constant 0 : i32
    %c0_i32_0 = arith.constant 0 : i32
    %c0_i32_1 = arith.constant 0 : i32
    return %c0_i32, %c0_i32_0 : i32, i32
  }
  func.func @transform_5(%arg0: i32) -> (i32, i32) {
    %c0_i32 = arith.constant 0 : i32
    %c0_i32_0 = arith.constant 0 : i32
    %c0_i32_1 = arith.constant 0 : i32
    return %c0_i32, %c0_i32_0 : i32, i32
  }
  func.func @transform_6(%arg0: i32) -> (i32, i32) {
    %c0_i32 = arith.constant 0 : i32
    %c0_i32_0 = arith.constant 0 : i32
    %c0_i32_1 = arith.constant 0 : i32
    return %c0_i32, %c0_i32_0 : i32, i32
  }
  func.func @transform_7(%arg0: i32) -> (i32, i32) {
    %c0_i32 = arith.constant 0 : i32
    %c0_i32_0 = arith.constant 0 : i32
    return %arg0, %c0_i32 : i32, i32
  }
}

</mosaic_0001>

<sc_bundles>
// kernel: kernel.4.cloned.1.call-start
scs
__scs_entry_jumppad:
0x0: {  	(pc) =	sbr.rel $0x88, $3  }
0x1: {  	(tag) =	ssettag $0x0;
	lr =	simm.s32 $0x1  }
0x2: {  	[smem:$0x3F9A] =	sst lr;
	_ =	strace $0xD0000000  }
0x3: {  	_ = 	snop  }
0x4: {  	_ = 	snop  }
0x5: {  	_ = 	snop  }
0x6: {  	_ = 	snop  }
0x7: {  	_ = 	snop  }
__scs_overlays_trampoline_lowered:
0x8: {  	[smem:$0x3FA9] =	sst s0  }
0x9: {  	[smem:$0x3FAA] =	sst s1  }
0xa: {  	[smem:$0x3FAB] =	sst s2  }
0xb: {  	[smem:$0x3FAC] =	sst s3  }
0xc: {  	[smem:$0x3FAD] =	sst s4  }
0xd: {  	[smem:$0x3FAE] =	sst s5  }
0xe: {  	[smem:$0x3FAF] =	sst s6  }
0xf: {  	[smem:$0x3FB0] =	sst s7  }
0x10: {  	[smem:$0x3FB1] =	sst s8  }
0x11: {  	[smem:$0x3FB2] =	sst s9;
	s0 =	simm.s32 @!p0 $0x0  }
0x12: {  	s1 =	sld [smem:$0x3F98];
	s0 =	simm.s32 @p0 $0x1  }
0x13: {  	[smem:$0x3FB3] =	sst s0;
	s0 =	simm.s32 @!p1 $0x0  }
0x14: {  	s2 =	sld [smem:$0x3F97];
	s0 =	simm.s32 @p1 $0x1  }
0x15: {  	[smem:$0x3FB4] =	sst s0;
	s0 =	simm.s32 @!p2 $0x0  }
0x16: {  	s3 =	sld [smem:$0x3FDB];
	s0 =	simm.s32 @p2 $0x1  }
0x17: {  	s4 =	simm.s32 $0x1BF5;
	[smem:$0x3FB6] =	sst s0  }
0x18: {  	s0 =	sld [smem:$0x3F99];
	_ =	swait.ge [sflag:s4], $0x0  }
0x19: {  	s7 =	sld [smem:$0x3F9A]  }
0x1a: {  	s8 =	sadd.s32 $0xFFFFE003, lr  }
0x1b: {  	s9 =	sadd.s32 $0xFFFFFEF7, lr;
	s5 =	simm.s32 $0xFFFFFFFF;
	p2 =	slt.u32 s8, $0xFFFFF086  }
0x1c: {  	p1 =	slt.u32 s9, $0xF7A;
	s5 =	simm.s32 @!p2 $0x0  }
0x1d: {  	s5 =	simm.s32 @p1 $0x1;
	p0 =	seq.s32 s7, s2  }
0x1e: {  	s7 =	smul.u32 @!p0 $0xF7A, s2;
	p2 =	seq.s32 @!p0 s5, $0x0  }
0x1f: {  	s9 =	smul.u32 $0xF7A, s1;
	s8 =	simm.s32 @!p0 $0x1BF5;
	p2 =	por !p2, p0  }
0x20: {  	[sflag:s8] =	ssyncset.s32 @!p0 $0xFFFFF086;
	s6 =	sadd.s32 @!p0 s3, s7;
	s7 =	simm.s32 @!p0 $0x108  }
0x21: {  	s3 =	sadd.s32 s3, s9;
	s6 =	sadd.s32 @!p0 $0x88, s6;
	s7 =	simm.s32 @p2 $0x1082  }
0x22: {  	[simem:s7], [sflag:s8] =	dma.local @!p0 [hbm:s6], $0xF7A  }
0x23: {  	s9 =	sor.u32 $0xD0000000, s2;
	s6 =	simm.s32 $0x108;
	_ =	swait.ge @!p0 [sflag:s8], $0x0  }
0x24: {  	s3 =	sadd.s32 $0x88, s3;
	s6 =	simm.s32 @!p1 $0x1082;
	[sflag:s4] =	ssyncset.s32 $0xFFFFF086  }
0x25: {  	[simem:s6], [sflag:s4] =	dma.local [hbm:s3], $0xF7A  }
0x26: {  	[smem:$0x3F9A] =	sst s1;
	(tag) =	ssettag s2;
	_ =	strace s9  }
0x27: {  	s1 =	sld [smem:$0x3FAA]  }
0x28: {  	s2 =	sld [smem:$0x3FAB]  }
0x29: {  	s4 =	sld [smem:$0x3FAD]  }
0x2a: {  	p0 =	seq.s32 s5, $0x0;
	s5 =	sld [smem:$0x3FAE]  }
0x2b: {  	s6 =	sld [smem:$0x3FAF]  }
0x2c: {  	s7 =	sld [smem:$0x3FB0]  }
0x2d: {  	s3 =	simm.s32 $0x108;
	s8 =	sld [smem:$0x3FB1]  }
0x2e: {  	s3 =	simm.s32 @!p0 $0x1082;
	s9 =	sld [smem:$0x3FB2]  }
0x2f: {  	lr =	sadd.s32 s0, s3;
	s0 =	sld [smem:$0x3FA9]  }
0x30: {  	s3 =	sld [smem:$0x3FAC]  }
0x31: {  	[smem:$0x3FB5] =	sst s10  }
0x32: {  	s10 =	sld [smem:$0x3FB3];
	_ =	sdelay $0x3  }
0x33: {  	p0 =	seq.s32 s10, $0x1;
	s10 =	sld [smem:$0x3FB5];
	_ =	sdelay $0x3  }
0x34: {  	[smem:$0x3FB5] =	sst s10  }
0x35: {  	s10 =	sld [smem:$0x3FB4];
	_ =	sdelay $0x3  }
0x36: {  	p1 =	seq.s32 s10, $0x1;
	s10 =	sld [smem:$0x3FB5];
	_ =	sdelay $0x3  }
0x37: {  	[smem:$0x3FB5] =	sst s10  }
0x38: {  	s10 =	sld [smem:$0x3FB6]  }
0x39: {  	_ = 	snop;
	(pc) =	sbr.ind lr, $3  }
0x3a: {  	_ = 	snop  }
0x3b: {  	_ = 	snop  }
0x3c: {  	p2 =	seq.s32 s10, $0x1;
	s10 =	sld [smem:$0x3FB5]  }
0x3d: {  	_ =	shalt  }
0x3e: {  	_ =	shalt  }
0x3f: {  	_ =	shalt  }
0x40: {  	_ =	shalt  }
0x41: {  	_ =	shalt  }
0x42: {  	_ =	shalt  }
0x43: {  	_ =	shalt  }
0x44: {  	_ =	shalt  }
0x45: {  	_ =	shalt  }
0x46: {  	_ =	shalt  }
0x47: {  	_ =	shalt  }
0x48: {  	_ =	shalt  }
0x49: {  	_ =	shalt  }
0x4a: {  	_ =	shalt  }
0x4b: {  	_ =	shalt  }
0x4c: {  	_ =	shalt  }
0x4d: {  	_ =	shalt  }
0x4e: {  	_ =	shalt  }
0x4f: {  	_ =	shalt  }
0x50: {  	_ =	shalt  }
0x51: {  	_ =	shalt  }
0x52: {  	_ =	shalt  }
0x53: {  	_ =	shalt  }
0x54: {  	_ =	shalt  }
0x55: {  	_ =	shalt  }
0x56: {  	_ =	shalt  }
0x57: {  	_ =	shalt  }
0x58: {  	_ =	shalt  }
0x59: {  	_ =	shalt  }
0x5a: {  	_ =	shalt  }
0x5b: {  	_ =	shalt  }
0x5c: {  	_ =	shalt  }
0x5d: {  	_ =	shalt  }
0x5e: {  	_ =	shalt  }
0x5f: {  	_ =	shalt  }
0x60: {  	_ =	shalt  }
0x61: {  	_ =	shalt  }
0x62: {  	_ =	shalt  }
0x63: {  	_ =	shalt  }
0x64: {  	_ =	shalt  }
0x65: {  	_ =	shalt  }
0x66: {  	_ =	shalt  }
0x67: {  	_ =	shalt  }
0x68: {  	_ =	shalt  }
0x69: {  	_ =	shalt  }
0x6a: {  	_ =	shalt  }
0x6b: {  	_ =	shalt  }
0x6c: {  	_ =	shalt  }
0x6d: {  	_ =	shalt  }
0x6e: {  	_ =	shalt  }
0x6f: {  	_ =	shalt  }
0x70: {  	_ =	shalt  }
0x71: {  	_ =	shalt  }
0x72: {  	_ =	shalt  }
0x73: {  	_ =	shalt  }
0x74: {  	_ =	shalt  }
0x75: {  	_ =	shalt  }
0x76: {  	_ =	shalt  }
0x77: {  	_ =	shalt  }
0x78: {  	_ =	shalt  }
0x79: {  	_ =	shalt  }
0x7a: {  	_ =	shalt  }
0x7b: {  	_ =	shalt  }
0x7c: {  	_ =	shalt  }
0x7d: {  	_ =	shalt  }
0x7e: {  	_ =	shalt  }
0x7f: {  	_ =	shalt  }
0x80: {  	_ =	shalt  }
0x81: {  	_ =	shalt  }
0x82: {  	_ =	shalt  }
0x83: {  	_ =	shalt  }
0x84: {  	_ =	shalt  }
0x85: {  	_ =	shalt  }
0x86: {  	_ =	shalt  }
0x87: {  	_ =	shalt  }
.Lfunc_end0:
.L_simem_size_0:
called_computation_lowered:
.L_overlay_start_0:
0x88: {  	s2 =	sld [smem:$0x3FD9]  }
0x89: {  	s3 =	sld [smem:$0x3FFE];
	_ =	sdelay $0x1  }
0x8a: {  	s1 =	srdreg.scid  }
0x8b: {  	s0 =	sand.u32 $0x1, s1  }
0x8c: {  	s17 =	sshll.u32 s0, $0xA;
	s2 =	sadd.s32 s3, s2  }
0x8d: {  	s2 =	sadd.s32 s2, s17  }
0x8e: {  	[smem:$0x3FC1] =	sst s2  }
0x8f: {  	_ = 	snop  }
0x90: {  	s2 =	sld [smem:$0x3FC8]  }
0x91: {  	s18 =	sld [smem:$0x3FD0];
	(tm) =	ssettm $0x1  }
0x92: {  	s4 =	sld [smem:$0x3FFB];
	_ =	sdelay $0x3  }
0x93: {  	_ =	strace s4  }
0x94: {  	s4 =	sld [smem:$0x3FFC];
	_ =	sdelay $0x3  }
0x95: {  	_ =	strace s4  }
0x96: {  	s4 =	sld [smem:$0x3FFD];
	_ =	sdelay $0x3  }
0x97: {  	_ =	strace s4  }
0x98: {  	_ =	strace $0x8FFFFFFF  }
0x99: {  	s19 =	sld [smem:$0x3FDB];
	_ =	sdelay $0x1  }
0x9a: {  	s5 =	simm.s32 $_scs_section_size  }
0x9b: {  	s6 =	simm.s32 $_size__tile_overlayer_lowered;
	s7 =	simm.s32 $_tile_overlayer_lowered  }
0x9c: {  	s22 =	simm.s32 $0x1BFF;
	s21 =	sshll.u32 s7, $0x1;
	s4 =	sadd.s32 s5, s19  }
0x9d: {  	s8 =	simm.s32 $0x0;
	s20 =	sshll.u32 s6, $0x1;
	s6 =	sadd.s32 s21, s4  }
0x9e: {  	[timem:s8], [sflag:s22] =	dma.local [hbm:s6], s20  }
0x9f: {  	_ =	swait.ge [sflag:s22], s20  }
0xa0: {  	s5 =	ssub.s32 $0x0, s20;
	[sflag:s22] =	ssyncset.done $0x0  }
0xa1: {  	[sflag:s22] =	ssyncadd.s32 s5;
	_ =	sdelay $0x1  }
0xa2: {  	s23 =	simm.s32 $0x1B8B  }
0xa3: {  	_ =	swait.ge [sflag:s23], $0x1  }
0xa4: {  	[sflag:s23] =	ssyncset.done $0x0  }
0xa5: {  	s25 =	simm.s32 $0x1B8E;
	s24 =	sld [smem:$0x3FFE];
	[sflag:s23] =	ssyncadd.s32 $0xFFFFFFFF  }
0xa6: {  	s26 =	simm.s32 $execute0_lowered;
	[smem:$0x3FD2] =	sst s25  }
0xa7: {  	s6 =	sshll.u32 s26, $0x1;
	_ =	strace $0x80000046;
	[dreg:$0x1] =	wrdreg $0xFFFFFFFF  }
0xa8: {  	s28 =	simm.s32 $_size_execute0_lowered;
	s4 =	sadd.s32 s4, s6;
	[dreg:$0x0] =	wrdreg $0x0  }
0xa9: {  	s6 =	sshll.u32 s28, $0x1;
	[dreg:$0x2] =	wrdreg s4  }
0xaa: {  	[dreg:$0x3] =	wrdreg s6  }
0xab: {  	[dreg:$0x4] =	wrdreg $0xC0  }
0xac: {  	_ =	task [dreg:s8], $0x5FFFF  }
0xad: {  	[dreg:$0x1] =	wrdreg $0xFFFFFFFF  }
0xae: {  	[dreg:$0x0] =	wrdreg $0x60  }
0xaf: {  	[dreg:$0x2] =	wrdreg s24  }
0xb0: {  	[dreg:$0x3] =	wrdreg s2  }
0xb1: {  	[dreg:$0x4] =	wrdreg s18  }
0xb2: {  	[dreg:$0x5] =	wrdreg $0x9  }
0xb3: {  	_ =	task.clear_ibuf [dreg:s8], $0x6FFFF;
	_ =	strace $0x90000046  }
0xb4: {  	s29 =	simm.s32 $0x9;
	_ =	strace $0x80000048  }
0xb5: {  	_ =	swait.ge [sflag:s29], $0x1  }
0xb6: {  	[sflag:s29] =	ssyncadd.s32 $0xFFFFFFFF  }
0xb7: {  	_ =	strace $0x90000048  }
0xb8: {  	_ =	sfence  }
0xb9: {  	s30 =	sld [smem:$0x0];
	_ =	sdelay $0x2  }
0xba: {  	s31 =	sshll.u32 s1, $0xD;
	s1 =	sshrl.u32 s1, $0x2  }
0xbb: {  	s3 =	sand.u32 $0x4000, s31;
	s1 =	sadd.s32 s1, s30  }
0xbc: {  	s0 =	sor.u32 s3, s0;
	s1 =	sshll.u32 s1, $0x11  }
0xbd: {  	s0 =	sor.u32 s1, s0  }
0xbe: {  	s0 =	sadd.s32 $0x8F2B, s0  }
0xbf: {  	[sflag:s0] =	ssyncadd.remote.s32 $0x1  }
0xc0: {  	_ =	sfence.sel $0xFFFF  }
0xc1: {  	[dreg:$0x0] =	wrdreg $0xFFFFFFFF;
	(pc) =	sbr.abs _section_cstart, $3  }
0xc2: {  	[dreg:$0x1] =	wrdreg $0xFFFFFFFF  }
0xc3: {  	_ =	task.clear_ibuf [dreg:s8], $0x2FFFF;
	_ =	strace $0x9FFFFFFF  }
0xc4: {  	(tm) =	ssettm $0x7FFFFFFF  }
0xc5: {  	_ =	shalt  }
tec
execute0_lowered:
.L_overlay_start_1:
0x0: {  	(tag) =	ssettag $0x1  }
0x1: {  	s0 =	srdreg.scid  }
0x2: {  	s8 =	stileid.u32;
	s1 =	rddreg [dreg:$0x0]  }
0x3: {  	s2 =	rddreg [dreg:$0x1];
	s18 =	simm.s32 $0x1;
	s19 =	simm.s32 $0x2  }
0x4: {  	s20 =	simm.s32 $0x3;
	s21 =	simm.s32 $0x4;
	s22 =	simm.s32 $0x1900  }
0x5: {  	s23 =	simm.s32 $0x3200;
	s0 =	sand.u32 $0x1, s0;
	s3 =	sshll.u32 s8, $0x1  }
0x6: {  	s6 =	sadd.s32 $0xC44A00, s1;
	s7 =	sadd.s32 $0xF1A00, s1;
	s14 =	smul.u32 $0x3200, s8  }
0x7: {  	s4 =	sor.u32 s0, s3;
	s10 =	ssub.s32 $0x2, s0;
	s0 =	smul.u32 $0x1900, s0  }
0x8: {  	s3 =	rddreg [dreg:$0x2];
	s5 =	smul.u32 $0x1900, s4;
	s4 =	simm.s32 $0x0  }
0x9: {  	s8 =	sadd.s32 $0xBF800, s1;
	s11 =	sshrl.u32 s10, $0x1;
	[smem:$0x7FF] =	sst s4  }
0xa: {  	s25 =	ssub.s32 s10, s11;
	s0 =	sadd.s32 s0, s14;
	s5 =	sshrl.u32 s5, $0x3  }
0xb: {  	_ =	strace $0x80000047;
	s0 =	sor.u32 $0x10, s0;
	s9 =	sadd.s32 s5, s1  }
0xc: {  	s5 =	sadd.s32 $0xFA00, s1;
	s1 =	smax.u32 s25, $0x1;
	[dreg:$0x9] =	wrdreg s0  }
.Ltmp0:
0xd: {  	s26 =	sadd.s32 $0x9600, s9;
	[dreg:$0x8] =	wrdreg s1;
	(pc) =	sbr.rel .LBB2_1-.Ltmp0, $4  }
0xe: {  	s24 =	simm.s32 $0x4B00;
	s30 =	sadd.s32 $0x96C8, s9;
	[dreg:$0x4] =	wrdreg s26  }
0xf: {  	s28 =	simm.s32 $0x9600;
	s31 =	sadd.s32 $0x9790, s9;
	[dreg:$0x5] =	wrdreg s30  }
0x10: {  	s29 =	simm.s32 $0x0;
	s9 =	sadd.s32 $0x9858, s9;
	[dreg:$0x6] =	wrdreg s31  }
0x11: {  	v0 =	vimm.s32 $0x32000;
	v1 =	vlaneseq.u32;
	v2 =	vimm.s32 $0x0;
	s25 =	simm.s32 $0x6400;
	[dreg:$0x7] =	wrdreg s9;
	s26 =	simm.s32 $0x7D00  }
.LBB2_16:
0x12: {  	[sflag:s9] =	ssyncadd.s32 @!p0 $0xFFFFFC00;
	s0 =	simm.s32 @!p3 $0x80  }
0x13: {  	[tilespmem:s11], [sflag:$0x6] =	stream.indirect.gather @!p3 [hbm4b:s6+s0], $0x8, s10, s0, $0xb8;
	[tilespmem:$0x15700] =	vst v63  }
.LBB2_17:
0x14: {  	s29 =	sadd.s32 $0x1, s29;
	s0 =	rddreg [dreg:$0x8]  }
0x15: {  	p0 =	sne.s32 s29, s0  }
.Ltmp1:
0x16: {  	_ = 	snop;
	(pc) =	sbr.rel @!p0 .LBB2_18-.Ltmp1, $1  }
0x17: {  	_ =	sdelay $0x3  }
.LBB2_1:
0x18: {  	s0 =	rddreg [dreg:$0x4]  }
0x19: {  	[tilespmem:s4], [sflag:$0x1] =	stream.linear.gather [hbm4b:s0+s4], $0x640, $0x38;
	[tilespmem:$0x15700] =	vst v63  }
0x1a: {  	s12 =	rddreg [dreg:$0x5];
	s1 =	simm.s32 $0x640  }
0x1b: {  	[tilespmem:s1], [sflag:$0x2] =	stream.linear.gather [hbm4b:s12+s4], $0x640, $0x38;
	[tilespmem:$0x15700] =	vst v63  }
0x1c: {  	s13 =	rddreg [dreg:$0x6];
	s14 =	simm.s32 $0xC80  }
0x1d: {  	[tilespmem:s14], [sflag:$0x3] =	stream.linear.gather [hbm4b:s13+s4], $0x640, $0x38;
	[tilespmem:$0x15700] =	vst v63  }
0x1e: {  	s15 =	rddreg [dreg:$0x7];
	s16 =	simm.s32 $0x12C0  }
0x1f: {  	[tilespmem:s16], [sflag:$0x4] =	stream.linear.gather [hbm4b:s15+s4], $0x640, $0x38;
	[tilespmem:$0x15700] =	vst v63  }
0x20: {  	_ =	swait.ge [sflag:s18], $0x640  }
0x21: {  	[sflag:s18] =	ssyncset.done $0x0  }
0x22: {  	[sflag:s18] =	ssyncadd.s32 $0xFFFFF9C0  }
0x23: {  	_ =	swait.ge [sflag:s19], $0x640  }
0x24: {  	[sflag:s19] =	ssyncset.done $0x0  }
0x25: {  	[sflag:s19] =	ssyncadd.s32 $0xFFFFF9C0  }
0x26: {  	_ =	swait.ge [sflag:s20], $0x640  }
0x27: {  	[sflag:s20] =	ssyncset.done $0x0  }
0x28: {  	[sflag:s20] =	ssyncadd.s32 $0xFFFFF9C0  }
0x29: {  	_ =	swait.ge [sflag:s21], $0x640  }
0x2a: {  	[sflag:s21] =	ssyncset.done $0x0  }
0x2b: {  	s17 =	simm.s32 $0x1920;
	[sflag:s21] =	ssyncadd.s32 $0xFFFFF9C0  }
0x2c: {  	s30 =	simm.s32 $0x3220;
	[tilespmem:s17+$0xFFFFFFE0] =	vst v2  }
0x2d: {  	s9 =	simm.s32 $0x4B20;
	[tilespmem:s30+$0xFFFFFFE0] =	vst v0  }
0x2e: {  	s10 =	simm.s32 $0x6420;
	[tilespmem:s9+$0xFFFFFFE0] =	vst v2  }
0x2f: {  	s11 =	simm.s32 $0x7D20;
	[tilespmem:s10+$0xFFFFFFE0] =	vst v0  }
0x30: {  	s15 =	simm.s32 $0x9620;
	[tilespmem:s11+$0xFFFFFFE0] =	vst v2  }
0x31: {  	[tilespmem:s15+$0xFFFFFFE0] =	vst v0  }
0x32: {  	[tilespmem:s17+$0xFFFFFFF0] =	vst v2  }
0x33: {  	[tilespmem:s30+$0xFFFFFFF0] =	vst v0  }
0x34: {  	[tilespmem:s9+$0xFFFFFFF0] =	vst v2  }
0x35: {  	[tilespmem:s10+$0xFFFFFFF0] =	vst v0  }
0x36: {  	[tilespmem:s11+$0xFFFFFFF0] =	vst v2  }
0x37: {  	[tilespmem:s15+$0xFFFFFFF0] =	vst v0  }
0x38: {  	[tilespmem:s17+$0x0] =	vst v2  }
0x39: {  	[tilespmem:s30+$0x0] =	vst v0  }
0x3a: {  	[tilespmem:s9+$0x0] =	vst v2  }
0x3b: {  	[tilespmem:s10+$0x0] =	vst v0  }
0x3c: {  	[tilespmem:s11+$0x0] =	vst v2  }
0x3d: {  	[tilespmem:s15+$0x0] =	vst v0  }
0x3e: {  	[tilespmem:s17+$0x10] =	vst v2  }
0x3f: {  	[tilespmem:s30+$0x10] =	vst v0  }
0x40: {  	[tilespmem:s9+$0x10] =	vst v2  }
0x41: {  	[tilespmem:s10+$0x10] =	vst v0  }
0x42: {  	[tilespmem:s11+$0x10] =	vst v2  }
0x43: {  	s0 =	simm.s32 $0x1960;
	[tilespmem:s15+$0x10] =	vst v0  }
0x44: {  	s1 =	simm.s32 $0x3260;
	[tilespmem:s0+$0xFFFFFFE0] =	vst v2  }
0x45: {  	s31 =	simm.s32 $0x4B60;
	[tilespmem:s1+$0xFFFFFFE0] =	vst v0  }
0x46: {  	s15 =	simm.s32 $0x6460;
	[tilespmem:s31+$0xFFFFFFE0] =	vst v2  }
0x47: {  	s16 =	simm.s32 $0x7D60;
	[tilespmem:s15+$0xFFFFFFE0] =	vst v0  }
0x48: {  	s17 =	simm.s32 $0x9660;
	[tilespmem:s16+$0xFFFFFFE0] =	vst v2  }
0x49: {  	[tilespmem:s17+$0xFFFFFFE0] =	vst v0  }
0x4a: {  	[tilespmem:s0+$0xFFFFFFF0] =	vst v2  }
0x4b: {  	[tilespmem:s1+$0xFFFFFFF0] =	vst v0  }
0x4c: {  	[tilespmem:s31+$0xFFFFFFF0] =	vst v2  }
0x4d: {  	[tilespmem:s15+$0xFFFFFFF0] =	vst v0  }
0x4e: {  	[tilespmem:s16+$0xFFFFFFF0] =	vst v2  }
0x4f: {  	[tilespmem:s17+$0xFFFFFFF0] =	vst v0  }
0x50: {  	[tilespmem:s0+$0x0] =	vst v2  }
0x51: {  	[tilespmem:s1+$0x0] =	vst v0  }
0x52: {  	[tilespmem:s31+$0x0] =	vst v2  }
0x53: {  	[tilespmem:s15+$0x0] =	vst v0  }
0x54: {  	[tilespmem:s16+$0x0] =	vst v2  }
0x55: {  	[tilespmem:s17+$0x0] =	vst v0  }
0x56: {  	[tilespmem:s0+$0x10] =	vst v2  }
0x57: {  	[tilespmem:s1+$0x10] =	vst v0  }
0x58: {  	[tilespmem:s31+$0x10] =	vst v2  }
0x59: {  	[tilespmem:s15+$0x10] =	vst v0  }
0x5a: {  	s9 =	simm.s32 $0x4;
	[tilespmem:s16+$0x10] =	vst v2  }
.LBB2_2:
0x5b: {  	v3 =	vimm.s32 $0x0;
	s9 =	sadd.s32 $0x4, s9;
	[tilespmem:s17+$0x10] =	vst v0;
	s0 =	sadd.s32 $0x40, s0;
	s30 =	simm.s32 $0xFFFFFFFE  }
0x5c: {  	s1 =	sadd.s32 $0x40, s1;
	[tilespmem:s0+$0xFFFFFFE0] =	vst v3;
	p0 =	slt.u32 s9, $0x18C  }
0x5d: {  	s31 =	sadd.s32 $0x40, s31;
	[tilespmem:s1+$0xFFFFFFE0] =	vst v0  }
0x5e: {  	s15 =	sadd.s32 $0x40, s15;
	[tilespmem:s31+$0xFFFFFFE0] =	vst v3  }
0x5f: {  	s16 =	sadd.s32 $0x40, s16;
	[tilespmem:s15+$0xFFFFFFE0] =	vst v0  }
0x60: {  	s17 =	sadd.s32 $0x40, s17;
	[tilespmem:s16+$0xFFFFFFE0] =	vst v3  }
0x61: {  	[tilespmem:s17+$0xFFFFFFE0] =	vst v0  }
0x62: {  	[tilespmem:s0+$0xFFFFFFF0] =	vst v3  }
0x63: {  	[tilespmem:s1+$0xFFFFFFF0] =	vst v0  }
0x64: {  	[tilespmem:s31+$0xFFFFFFF0] =	vst v3  }
0x65: {  	[tilespmem:s15+$0xFFFFFFF0] =	vst v0  }
0x66: {  	[tilespmem:s16+$0xFFFFFFF0] =	vst v3  }
0x67: {  	[tilespmem:s17+$0xFFFFFFF0] =	vst v0  }
0x68: {  	[tilespmem:s0+$0x0] =	vst v3  }
0x69: {  	[tilespmem:s1+$0x0] =	vst v0  }
0x6a: {  	[tilespmem:s31+$0x0] =	vst v3  }
0x6b: {  	[tilespmem:s15+$0x0] =	vst v0  }
0x6c: {  	[tilespmem:s16+$0x0] =	vst v3  }
0x6d: {  	[tilespmem:s17+$0x0] =	vst v0  }
.Ltmp2:
0x6e: {  	[tilespmem:s0+$0x10] =	vst v3;
	(pc) =	sbr.rel @p0 .LBB2_2-.Ltmp2, $4  }
0x6f: {  	[tilespmem:s1+$0x10] =	vst v0  }
0x70: {  	[tilespmem:s31+$0x10] =	vst v3  }
0x71: {  	[tilespmem:s15+$0x10] =	vst v0  }
0x72: {  	[tilespmem:s16+$0x10] =	vst v3  }
0x73: {  	[tilespmem:s17+$0x10] =	vst v0;
	s0 =	simm.s32 $0x10;
	s1 =	rddreg [dreg:$0x9];
	v4 =	vimm.s32 $0x0;
	v5 =	vimm.s32 $0x0  }
.LBB2_4:
0x74: {  	v6 =	vld [tilespmem:s0+$0xFFFFFFF0];
	_ =	sdelay $0x4  }
0x75: {  	vm1 =	vlt.s32 v6, $0x4E20  }
0x76: {  	v7 =	vadd.s32 $0xFFFFB1E0, v6;
	v8 =	vsel vm1, $0x1, v2  }
0x77: {  	vm2 =	vlt.u32 v7, $0x2BF20;
	(xrf0) =	vadd.scan.msk.s32 $0xffff, v8  }
0x78: {  	v43 =	vsel vm2, $0x1, v2  }
0x79: {  	vm0 =	vgt.s32 v6, $0x30D3F;
	(xrf0) =	vadd.scan.msk.s32 $0xffff, v43  }
0x7a: {  	v44 =	vsel vm0, $0x1, v2  }
0x7b: {  	(xrf0) =	vadd.scan.msk.s32 $0xffff, v44  }
0x7c: {  	v45 =	vsel vm1, $0xFFFFFFFF, v2  }
0x7d: {  	v8 =	vadd.s32 v45, v5;
	v9, _, _ =	vpop (xrf0)  }
0x7e: {  	v46 =	vsel vm2, $0xFFFFFFFF, v2;
	v8 =	vadd.s32 v9, v8  }
0x7f: {  	v10, _, _ =	vpop (xrf0);
	v9 =	vadd.s32 v46, v4  }
0x80: {  	v47 =	vsel vm0, $0xFFFFFFFF, v2;
	v9 =	vadd.s32 v10, v9  }
0x81: {  	v11, _, _ =	vpop (xrf0);
	v10 =	vadd.s32 v47, v3  }
0x82: {  	s9 =	sadd.s32 $0xFFFFFFF0, s1;
	v10 =	vadd.s32 v11, v10  }
0x83: {  	v48 =	vor.u32 s9, v1;
	[tilespmem:v8+s22+$0x0] =	vst.idx.msk vm1, v6  }
0x84: {  	[tilespmem:v8+s23+$0x0] =	vst.idx.msk vm1, v48  }
0x85: {  	[tilespmem:v9+s24+$0x0] =	vst.idx.msk vm2, v7  }
0x86: {  	v6 =	vadd.s32 $0xFFFCF2C0, v6;
	[tilespmem:v9+s25+$0x0] =	vst.idx.msk vm2, v48  }
0x87: {  	[tilespmem:v10+s26+$0x0] =	vst.idx.msk vm0, v6  }
0x88: {  	[tilespmem:v10+s28+$0x0] =	vst.idx.msk vm0, v48  }
0x89: {  	v6 =	vld [tilespmem:s0+$0x0];
	_ =	sdelay $0x4  }
0x8a: {  	vm4 =	vlt.s32 v6, $0x4E20  }
0x8b: {  	v7 =	vadd.s32 $0xFFFFB1E0, v6;
	v49 =	vsel vm4, $0x1, v2  }
0x8c: {  	vm5 =	vlt.u32 v7, $0x2BF20;
	(xrf0) =	vadd.scan.msk.s32 $0xffff, v49  }
0x8d: {  	v50 =	vsel vm5, $0x1, v2  }
0x8e: {  	vm3 =	vgt.s32 v6, $0x30D3F;
	(xrf0) =	vadd.scan.msk.s32 $0xffff, v50  }
0x8f: {  	v51 =	vmpcnt.ones.xlane vm1;
	v52 =	vsel vm3, $0x1, v2  }
0x90: {  	(xrf0) =	vadd.scan.msk.s32 $0xffff, v52  }
0x91: {  	v53 =	vmpcnt.ones.xlane vm2;
	v5 =	vadd.s32 v5, v51;
	v54 =	vsel vm4, $0xFFFFFFFF, v2  }
0x92: {  	v56 =	vmpcnt.ones.xlane vm0;
	v8 =	vadd.s32 v54, v5;
	v55, _, _ =	vpop (xrf0)  }
0x93: {  	v4 =	vadd.s32 v4, v53;
	v57 =	vsel vm5, $0xFFFFFFFF, v2;
	v8 =	vadd.s32 v55, v8  }
0x94: {  	v9 =	vadd.s32 v57, v4;
	v58, _, _ =	vpop (xrf0)  }
0x95: {  	v3 =	vadd.s32 v3, v56;
	v59 =	vsel vm3, $0xFFFFFFFF, v2;
	v9 =	vadd.s32 v58, v9  }
0x96: {  	v10 =	vadd.s32 v59, v3;
	v60, _, _ =	vpop (xrf0)  }
0x97: {  	s30 =	sadd.s32 $0x2, s30;
	v10 =	vadd.s32 v60, v10  }
0x98: {  	v61 =	vor.u32 s1, v1;
	p0 =	slt.u32 s30, $0x18E;
	[tilespmem:v8+s22+$0x0] =	vst.idx.msk vm4, v6  }
.Ltmp3:
0x99: {  	[tilespmem:v8+s23+$0x0] =	vst.idx.msk vm4, v61;
	(pc) =	sbr.rel @p0 .LBB2_4-.Ltmp3, $4  }
0x9a: {  	v62 =	vmpcnt.ones.xlane vm4;
	[tilespmem:v9+s24+$0x0] =	vst.idx.msk vm5, v7  }
0x9b: {  	v63 =	vmpcnt.ones.xlane vm3;
	v6 =	vadd.s32 $0xFFFCF2C0, v6;
	v7 =	vmpcnt.ones.xlane vm5;
	[tilespmem:v9+s25+$0x0] =	vst.idx.msk vm5, v61  }
0x9c: {  	v5 =	vadd.s32 v5, v62;
	[tilespmem:v10+s26+$0x0] =	vst.idx.msk vm3, v6  }
0x9d: {  	s1 =	sadd.s32 $0x20, s1;
	s0 =	sadd.s32 $0x20, s0;
	v3 =	vadd.s32 v3, v63;
	v4 =	vadd.s32 v4, v7;
	[tilespmem:v10+s28+$0x0] =	vst.idx.msk vm3, v61  }
0x9e: {  	v5 =	vxor.u32 $0x80000000, v5  }
0x9f: {  	(xrf0) =	vmax.scan.msk.u32 $0xffff, v5;
	_ =	sdelay $0x5  }
0xa0: {  	v5, _, _ =	vpop (xrf0)  }
0xa1: {  	(v2sf) =	vpush v5, $0xF;
	_ =	sdelay $0x5  }
0xa2: {  	v4 =	vxor.u32 $0x80000000, v4  }
0xa3: {  	v3 =	vxor.u32 $0x80000000, v3;
	(xrf0) =	vmax.scan.msk.u32 $0xffff, v4  }
0xa4: {  	(xrf0) =	vmax.scan.msk.u32 $0xffff, v3;
	_ =	sdelay $0x4  }
0xa5: {  	v3, _, _ =	vpop (xrf0)  }
0xa6: {  	(v2sf) =	vpush v3, $0xF;
	v3, _, _ =	vpop (xrf0)  }
0xa7: {  	(v2sf) =	vpush v3, $0xF;
	s0 =	spop (v2sf)  }
0xa8: {  	s0 =	sadd.s32 $0x8000007F, s0  }
0xa9: {  	s31 =	sshrl.u32 s0, $0x7  }
0xaa: {  	p0 =	seq.s32 s31, $0x0  }
0xab: {  	s1 =	simm.s32 @!p0 $0x80;
	s9 =	simm.s32 @!p0 $0x1900;
	s10 =	simm.s32 @!p0 $0xAF00  }
0xac: {  	[tilespmem:s10], [sflag:$0x1] =	stream.indirect.gather @!p0 [hbm4b:s2+s1], $0x80, s9, s1, $0xb8;
	[tilespmem:$0x15700] =	vst v63  }
0xad: {  	s17 =	sadd.s32 $0x1, s31;
	p0 =	slt.u32 s0, $0x100  }
0xae: {  	s0 =	simm.s32 @!p0 $0x80;
	s1 =	simm.s32 @!p0 $0x1980;
	s9 =	simm.s32 @!p0 $0xEF00  }
0xaf: {  	[tilespmem:s9], [sflag:$0x2] =	stream.indirect.gather @!p0 [hbm4b:s2+s0], $0x80, s1, s0, $0xb8;
	[tilespmem:$0x15700] =	vst v63  }
0xb0: {  	s0 =	sshrl.u32 s17, $0x1  }
0xb1: {  	p0 =	seq.s32 s0, $0x0  }
.Ltmp4:
0xb2: {  	_ = 	snop;
	(pc) =	sbr.rel @p0 .LBB2_9-.Ltmp4, $3  }
0xb3: {  	_ =	sdelay $0x1  }
0xb4: {  	s1 =	spop (v2sf)  }
0xb5: {  	s30 =	spop (v2sf)  }
0xb6: {  	p0 =	sle.u32 s31, $0x0  }
0xb7: {  	s9 =	simm.s32 @!p0 $0x1  }
0xb8: {  	s10 =	simm.s32 $0x3200;
	s0 =	sshll.u32 s0, $0x1;
	_ =	swait.ge @!p0 [sflag:s9], $0x4000  }
0xb9: {  	p1 =	sle.u32 @!p0 s31, $0x2;
	s11 =	simm.s32 @!p0 $0x7;
	[sflag:s9] =	ssyncset.done @!p0 $0x0  }
0xba: {  	s15 =	simm.s32 @!p0 $0xAF00;
	[sflag:s9] =	ssyncadd.s32 @!p0 $0xFFFFC000;
	s9 =	simm.s32 @!p0 $0x80  }
0xbb: {  	[hbm4b:s7+s9] =	stream.indirect.scatter @!p0 [tilespmem:s15], [sflag:$0x7], $0x80, s10, s9, $0xb8;
	[tilespmem:$0x15700] =	vst v63  }
0xbc: {  	s16 =	simm.s32 $0x1B00;
	p1 =	por p1, p0;
	_ =	swait.ge @!p0 [sflag:s11], $0x4000  }
0xbd: {  	s9 =	simm.s32 $0x1A00;
	s10 =	simm.s32 @!p1 $0xAF00;
	[sflag:s11] =	ssyncset.done @!p0 $0x0  }
0xbe: {  	[sflag:s11] =	ssyncadd.s32 @!p0 $0xFFFFC000;
	s11 =	simm.s32 @!p1 $0x80;
	p0 =	sle.u32 s31, $0x1  }
0xbf: {  	[tilespmem:s10], [sflag:$0x1] =	stream.indirect.gather @!p1 [hbm4b:s2+s11], $0x80, s9, s11, $0xb8;
	[tilespmem:$0x15700] =	vst v63  }
0xc0: {  	s15 =	simm.s32 $0x2;
	p1 =	sne.s32 s0, $0x2;
	s9 =	simm.s32 @!p0 $0x2  }
0xc1: {  	s10 =	simm.s32 @!p0 $0x80;
	s11 =	simm.s32 @!p0 $0xEF00;
	_ =	swait.ge @!p0 [sflag:s9], $0x4000  }
.Ltmp5:
0xc2: {  	s17 =	simm.s32 @!p0 $0x3280;
	[sflag:s9] =	ssyncset.done @!p0 $0x0;
	(pc) =	sbr.rel @!p1 .LBB2_8-.Ltmp5, $4  }
0xc3: {  	p2 =	sle.u32 @!p0 s31, $0x3;
	[sflag:s9] =	ssyncadd.s32 @!p0 $0xFFFFC000;
	s9 =	simm.s32 @!p0 $0x7  }
0xc4: {  	[hbm4b:s7+s10] =	stream.indirect.scatter @!p0 [tilespmem:s11], [sflag:$0x7], $0x80, s17, s10, $0xb8;
	[tilespmem:$0x15700] =	vst v63  }
0xc5: {  	p3 =	por p2, p0;
	s17 =	simm.s32 $0x3300;
	_ =	swait.ge @!p0 [sflag:s9], $0x4000  }
0xc6: {  	s10 =	simm.s32 @!p3 $0x1A80;
	s11 =	simm.s32 @!p3 $0xEF00;
	[sflag:s9] =	ssyncset.done @!p0 $0x0  }
.LBB2_7:
0xc7: {  	p2 =	sge.u32 s15, s31;
	[sflag:s9] =	ssyncadd.s32 @!p0 $0xFFFFC000  }
0xc8: {  	s9 =	simm.s32 @!p3 $0x80;
	s12 =	smov.u32 s15;
	s13 =	smov.u32 s16  }
0xc9: {  	[tilespmem:s11], [sflag:$0x2] =	stream.indirect.gather @!p3 [hbm4b:s2+s9], $0x80, s10, s9, $0xb8;
	[tilespmem:$0x15700] =	vst v63  }
0xca: {  	s15 =	sadd.s32 $0x2, s15;
	s9 =	simm.s32 @!p2 $0x1;
	s10 =	sadd.s32 @!p2 $0x2, s12  }
0xcb: {  	p1 =	sne.s32 s0, s15;
	p0 =	sge.u32 @!p2 s10, s31;
	_ =	swait.ge @!p2 [sflag:s9], $0x4000  }
0xcc: {  	s10 =	simm.s32 @!p2 $0x7;
	p3 =	por p0, p2;
	[sflag:s9] =	ssyncset.done @!p2 $0x0  }
0xcd: {  	s11 =	simm.s32 @!p2 $0xAF00;
	[sflag:s9] =	ssyncadd.s32 @!p2 $0xFFFFC000;
	s9 =	simm.s32 @!p2 $0x80  }
0xce: {  	[hbm4b:s7+s9] =	stream.indirect.scatter @!p2 [tilespmem:s11], [sflag:$0x7], $0x80, s17, s9, $0xb8;
	[tilespmem:$0x15700] =	vst v63  }
0xcf: {  	_ =	swait.ge @!p2 [sflag:s10], $0x4000  }
0xd0: {  	s9 =	simm.s32 @!p3 $0xAF00;
	s11 =	sadd.s32 $0x1, s12;
	[sflag:s10] =	ssyncset.done @!p2 $0x0  }
0xd1: {  	p0 =	sge.u32 s11, s31;
	[sflag:s10] =	ssyncadd.s32 @!p2 $0xFFFFC000;
	s10 =	simm.s32 @!p3 $0x80  }
0xd2: {  	[tilespmem:s9], [sflag:$0x1] =	stream.indirect.gather @!p3 [hbm4b:s2+s10], $0x80, s16, s10, $0xb8;
	[tilespmem:$0x15700] =	vst v63  }
0xd3: {  	s9 =	simm.s32 @!p0 $0x2;
	s10 =	sadd.s32 @!p0 $0x3, s12;
	s16 =	sadd.s32 $0x100, s16  }
0xd4: {  	s11 =	simm.s32 @!p0 $0x80;
	s12 =	simm.s32 @!p0 $0xEF00;
	_ =	swait.ge @!p0 [sflag:s9], $0x4000  }
.Ltmp6:
0xd5: {  	s14 =	sadd.s32 @!p0 $0x80, s17;
	[sflag:s9] =	ssyncset.done @!p0 $0x0;
	(pc) =	sbr.rel @p1 .LBB2_7-.Ltmp6, $4  }
0xd6: {  	p2 =	sge.u32 @!p0 s10, s31;
	[sflag:s9] =	ssyncadd.s32 @!p0 $0xFFFFC000;
	s9 =	simm.s32 @!p0 $0x7  }
0xd7: {  	[hbm4b:s7+s11] =	stream.indirect.scatter @!p0 [tilespmem:s12], [sflag:$0x7], $0x80, s14, s11, $0xb8;
	[tilespmem:$0x15700] =	vst v63  }
0xd8: {  	s17 =	sadd.s32 $0x100, s17;
	p3 =	por p2, p0;
	_ =	swait.ge @!p0 [sflag:s9], $0x4000  }
0xd9: {  	s10 =	sadd.s32 @!p3 $0x80, s13;
	s11 =	simm.s32 @!p3 $0xEF00;
	[sflag:s9] =	ssyncset.done @!p0 $0x0  }
.LBB2_8:
0xda: {  	[sflag:s9] =	ssyncadd.s32 @!p0 $0xFFFFC000;
	s0 =	simm.s32 @!p3 $0x80  }
0xdb: {  	[tilespmem:s11], [sflag:$0x2] =	stream.indirect.gather @!p3 [hbm4b:s2+s0], $0x80, s10, s0, $0xb8;
	[tilespmem:$0x15700] =	vst v63  }
.LBB2_9:
0xdc: {  	s0 =	sadd.s32 $0x8000007F, s1  }
0xdd: {  	s31 =	sshrl.u32 s0, $0x7  }
0xde: {  	p0 =	seq.s32 s31, $0x0  }
0xdf: {  	s1 =	simm.s32 @!p0 $0x80;
	s9 =	simm.s32 @!p0 $0x4B00;
	s10 =	simm.s32 @!p0 $0x12F00  }
0xe0: {  	[tilespmem:s10], [sflag:$0x3] =	stream.indirect.gather @!p0 [hbm4b:s5+s1], $0x20, s9, s1, $0xb8;
	[tilespmem:$0x15700] =	vst v63  }
0xe1: {  	s17 =	sadd.s32 $0x1, s31;
	p0 =	slt.u32 s0, $0x100  }
0xe2: {  	s0 =	simm.s32 @!p0 $0x80;
	s1 =	simm.s32 @!p0 $0x4B80;
	s9 =	simm.s32 @!p0 $0x13F00  }
0xe3: {  	[tilespmem:s9], [sflag:$0x4] =	stream.indirect.gather @!p0 [hbm4b:s5+s0], $0x20, s1, s0, $0xb8;
	[tilespmem:$0x15700] =	vst v63  }
0xe4: {  	s0 =	sshrl.u32 s17, $0x1  }
0xe5: {  	p0 =	seq.s32 s0, $0x0  }
.Ltmp7:
0xe6: {  	_ = 	snop;
	(pc) =	sbr.rel @p0 .LBB2_13-.Ltmp7, $1  }
0xe7: {  	_ =	sdelay $0x3  }
0xe8: {  	p0 =	sle.u32 s31, $0x0  }
0xe9: {  	s1 =	simm.s32 @!p0 $0x3  }
0xea: {  	s9 =	simm.s32 $0x6400;
	s0 =	sshll.u32 s0, $0x1;
	_ =	swait.ge @!p0 [sflag:s1], $0x1000  }
0xeb: {  	p1 =	sle.u32 @!p0 s31, $0x2;
	s10 =	simm.s32 @!p0 $0x7;
	[sflag:s1] =	ssyncset.done @!p0 $0x0  }
0xec: {  	s11 =	simm.s32 @!p0 $0x12F00;
	[sflag:s1] =	ssyncadd.s32 @!p0 $0xFFFFF000;
	s1 =	simm.s32 @!p0 $0x80  }
0xed: {  	[hbm4b:s3+s1] =	stream.indirect.scatter @!p0 [tilespmem:s11], [sflag:$0x7], $0x20, s9, s1, $0xb8;
	[tilespmem:$0x15700] =	vst v63  }
0xee: {  	s15 =	simm.s32 $0x4D00;
	p1 =	por p1, p0;
	_ =	swait.ge @!p0 [sflag:s10], $0x1000  }
0xef: {  	s1 =	simm.s32 $0x4C00;
	s9 =	simm.s32 @!p1 $0x12F00;
	[sflag:s10] =	ssyncset.done @!p0 $0x0  }
0xf0: {  	[sflag:s10] =	ssyncadd.s32 @!p0 $0xFFFFF000;
	s10 =	simm.s32 @!p1 $0x80;
	p0 =	sle.u32 s31, $0x1  }
0xf1: {  	[tilespmem:s9], [sflag:$0x3] =	stream.indirect.gather @!p1 [hbm4b:s5+s10], $0x20, s1, s10, $0xb8;
	[tilespmem:$0x15700] =	vst v63  }
0xf2: {  	s16 =	simm.s32 $0x6500;
	p1 =	sne.s32 s0, $0x2;
	s9 =	simm.s32 @!p0 $0x4  }
0xf3: {  	s10 =	simm.s32 @!p0 $0x80;
	s11 =	simm.s32 @!p0 $0x13F00;
	_ =	swait.ge @!p0 [sflag:s9], $0x1000  }
.Ltmp8:
0xf4: {  	s12 =	simm.s32 @!p0 $0x6480;
	[sflag:s9] =	ssyncset.done @!p0 $0x0;
	(pc) =	sbr.rel @!p1 .LBB2_12-.Ltmp8, $4  }
0xf5: {  	p2 =	sle.u32 @!p0 s31, $0x3;
	[sflag:s9] =	ssyncadd.s32 @!p0 $0xFFFFF000;
	s9 =	simm.s32 @!p0 $0x7  }
0xf6: {  	[hbm4b:s3+s10] =	stream.indirect.scatter @!p0 [tilespmem:s11], [sflag:$0x7], $0x20, s12, s10, $0xb8;
	[tilespmem:$0x15700] =	vst v63  }
0xf7: {  	s1 =	simm.s32 $0x2;
	p3 =	por p2, p0;
	_ =	swait.ge @!p0 [sflag:s9], $0x1000  }
0xf8: {  	s10 =	simm.s32 @!p3 $0x4C80;
	s11 =	simm.s32 @!p3 $0x13F00;
	[sflag:s9] =	ssyncset.done @!p0 $0x0  }
.LBB2_11:
0xf9: {  	p2 =	sge.u32 s1, s31;
	[sflag:s9] =	ssyncadd.s32 @!p0 $0xFFFFF000  }
0xfa: {  	s9 =	simm.s32 @!p3 $0x80;
	s12 =	smov.u32 s1;
	s13 =	smov.u32 s15  }
0xfb: {  	[tilespmem:s11], [sflag:$0x4] =	stream.indirect.gather @!p3 [hbm4b:s5+s9], $0x20, s10, s9, $0xb8;
	[tilespmem:$0x15700] =	vst v63  }
0xfc: {  	s1 =	sadd.s32 $0x2, s1;
	s9 =	simm.s32 @!p2 $0x3;
	s10 =	sadd.s32 @!p2 $0x2, s12  }
0xfd: {  	p1 =	sne.s32 s0, s1;
	p0 =	sge.u32 @!p2 s10, s31;
	_ =	swait.ge @!p2 [sflag:s9], $0x1000  }
0xfe: {  	s10 =	simm.s32 @!p2 $0x7;
	p3 =	por p0, p2;
	[sflag:s9] =	ssyncset.done @!p2 $0x0  }
0xff: {  	s11 =	simm.s32 @!p2 $0x12F00;
	[sflag:s9] =	ssyncadd.s32 @!p2 $0xFFFFF000;
	s9 =	simm.s32 @!p2 $0x80  }
0x100: {  	[hbm4b:s3+s9] =	stream.indirect.scatter @!p2 [tilespmem:s11], [sflag:$0x7], $0x20, s16, s9, $0xb8;
	[tilespmem:$0x15700] =	vst v63  }
0x101: {  	_ =	swait.ge @!p2 [sflag:s10], $0x1000  }
0x102: {  	s9 =	simm.s32 @!p3 $0x12F00;
	s11 =	sadd.s32 $0x1, s12;
	[sflag:s10] =	ssyncset.done @!p2 $0x0  }
0x103: {  	p0 =	sge.u32 s11, s31;
	[sflag:s10] =	ssyncadd.s32 @!p2 $0xFFFFF000;
	s10 =	simm.s32 @!p3 $0x80  }
0x104: {  	[tilespmem:s9], [sflag:$0x3] =	stream.indirect.gather @!p3 [hbm4b:s5+s10], $0x20, s15, s10, $0xb8;
	[tilespmem:$0x15700] =	vst v63  }
0x105: {  	s9 =	simm.s32 @!p0 $0x4;
	s10 =	sadd.s32 @!p0 $0x3, s12;
	s15 =	sadd.s32 $0x100, s15  }
0x106: {  	s11 =	simm.s32 @!p0 $0x80;
	s12 =	simm.s32 @!p0 $0x13F00;
	_ =	swait.ge @!p0 [sflag:s9], $0x1000  }
.Ltmp9:
0x107: {  	s14 =	sadd.s32 @!p0 $0x80, s16;
	[sflag:s9] =	ssyncset.done @!p0 $0x0;
	(pc) =	sbr.rel @p1 .LBB2_11-.Ltmp9, $4  }
0x108: {  	p2 =	sge.u32 @!p0 s10, s31;
	[sflag:s9] =	ssyncadd.s32 @!p0 $0xFFFFF000;
	s9 =	simm.s32 @!p0 $0x7  }
0x109: {  	[hbm4b:s3+s11] =	stream.indirect.scatter @!p0 [tilespmem:s12], [sflag:$0x7], $0x20, s14, s11, $0xb8;
	[tilespmem:$0x15700] =	vst v63  }
0x10a: {  	s16 =	sadd.s32 $0x100, s16;
	p3 =	por p2, p0;
	_ =	swait.ge @!p0 [sflag:s9], $0x1000  }
0x10b: {  	s10 =	sadd.s32 @!p3 $0x80, s13;
	s11 =	simm.s32 @!p3 $0x13F00;
	[sflag:s9] =	ssyncset.done @!p0 $0x0  }
.LBB2_12:
0x10c: {  	[sflag:s9] =	ssyncadd.s32 @!p0 $0xFFFFF000;
	s0 =	simm.s32 @!p3 $0x80  }
0x10d: {  	[tilespmem:s11], [sflag:$0x4] =	stream.indirect.gather @!p3 [hbm4b:s5+s0], $0x20, s10, s0, $0xb8;
	[tilespmem:$0x15700] =	vst v63  }
.LBB2_13:
0x10e: {  	s0 =	sadd.s32 $0x8000007F, s30  }
0x10f: {  	s30 =	sshrl.u32 s0, $0x7  }
0x110: {  	p0 =	seq.s32 s30, $0x0  }
0x111: {  	s1 =	simm.s32 @!p0 $0x80;
	s9 =	simm.s32 @!p0 $0x7D00;
	s10 =	simm.s32 @!p0 $0x14F00  }
0x112: {  	[tilespmem:s10], [sflag:$0x5] =	stream.indirect.gather @!p0 [hbm4b:s6+s1], $0x8, s9, s1, $0xb8;
	[tilespmem:$0x15700] =	vst v63  }
0x113: {  	s31 =	sadd.s32 $0x1, s30;
	p0 =	slt.u32 s0, $0x100  }
0x114: {  	s0 =	simm.s32 @!p0 $0x80;
	s1 =	simm.s32 @!p0 $0x7D80;
	s9 =	simm.s32 @!p0 $0x15300  }
0x115: {  	[tilespmem:s9], [sflag:$0x6] =	stream.indirect.gather @!p0 [hbm4b:s6+s0], $0x8, s1, s0, $0xb8;
	[tilespmem:$0x15700] =	vst v63  }
0x116: {  	s0 =	sshrl.u32 s31, $0x1  }
0x117: {  	p0 =	seq.s32 s0, $0x0  }
.Ltmp10:
0x118: {  	_ = 	snop;
	(pc) =	sbr.rel @p0 .LBB2_17-.Ltmp10, $1  }
0x119: {  	_ =	sdelay $0x3  }
0x11a: {  	p0 =	sle.u32 s30, $0x0  }
0x11b: {  	s1 =	simm.s32 @!p0 $0x5  }
0x11c: {  	s9 =	simm.s32 $0x9600;
	s0 =	sshll.u32 s0, $0x1;
	_ =	swait.ge @!p0 [sflag:s1], $0x400  }
0x11d: {  	p1 =	sle.u32 @!p0 s30, $0x2;
	s10 =	simm.s32 @!p0 $0x7;
	[sflag:s1] =	ssyncset.done @!p0 $0x0  }
0x11e: {  	s11 =	simm.s32 @!p0 $0x14F00;
	[sflag:s1] =	ssyncadd.s32 @!p0 $0xFFFFFC00;
	s1 =	simm.s32 @!p0 $0x80  }
0x11f: {  	[hbm4b:s8+s1] =	stream.indirect.scatter @!p0 [tilespmem:s11], [sflag:$0x7], $0x8, s9, s1, $0xb8;
	[tilespmem:$0x15700] =	vst v63  }
0x120: {  	s15 =	simm.s32 $0x7F00;
	p1 =	por p1, p0;
	_ =	swait.ge @!p0 [sflag:s10], $0x400  }
0x121: {  	s1 =	simm.s32 $0x7E00;
	s9 =	simm.s32 @!p1 $0x14F00;
	[sflag:s10] =	ssyncset.done @!p0 $0x0  }
0x122: {  	[sflag:s10] =	ssyncadd.s32 @!p0 $0xFFFFFC00;
	s10 =	simm.s32 @!p1 $0x80;
	p0 =	sle.u32 s30, $0x1  }
0x123: {  	[tilespmem:s9], [sflag:$0x5] =	stream.indirect.gather @!p1 [hbm4b:s6+s10], $0x8, s1, s10, $0xb8;
	[tilespmem:$0x15700] =	vst v63  }
0x124: {  	s16 =	simm.s32 $0x9700;
	p1 =	sne.s32 s0, $0x2;
	s9 =	simm.s32 @!p0 $0x6  }
0x125: {  	s10 =	simm.s32 @!p0 $0x80;
	s11 =	simm.s32 @!p0 $0x15300;
	_ =	swait.ge @!p0 [sflag:s9], $0x400  }
.Ltmp11:
0x126: {  	s12 =	simm.s32 @!p0 $0x9680;
	[sflag:s9] =	ssyncset.done @!p0 $0x0;
	(pc) =	sbr.rel @!p1 .LBB2_16-.Ltmp11, $4  }
0x127: {  	p2 =	sle.u32 @!p0 s30, $0x3;
	[sflag:s9] =	ssyncadd.s32 @!p0 $0xFFFFFC00;
	s9 =	simm.s32 @!p0 $0x7  }
0x128: {  	[hbm4b:s8+s10] =	stream.indirect.scatter @!p0 [tilespmem:s11], [sflag:$0x7], $0x8, s12, s10, $0xb8;
	[tilespmem:$0x15700] =	vst v63  }
0x129: {  	s1 =	simm.s32 $0x2;
	p3 =	por p2, p0;
	_ =	swait.ge @!p0 [sflag:s9], $0x400  }
0x12a: {  	s10 =	simm.s32 @!p3 $0x7E80;
	s11 =	simm.s32 @!p3 $0x15300;
	[sflag:s9] =	ssyncset.done @!p0 $0x0  }
.LBB2_15:
0x12b: {  	p2 =	sge.u32 s1, s30;
	[sflag:s9] =	ssyncadd.s32 @!p0 $0xFFFFFC00  }
0x12c: {  	s9 =	simm.s32 @!p3 $0x80;
	s12 =	smov.u32 s1;
	s13 =	smov.u32 s15  }
0x12d: {  	[tilespmem:s11], [sflag:$0x6] =	stream.indirect.gather @!p3 [hbm4b:s6+s9], $0x8, s10, s9, $0xb8;
	[tilespmem:$0x15700] =	vst v63  }
0x12e: {  	s1 =	sadd.s32 $0x2, s1;
	s9 =	simm.s32 @!p2 $0x5;
	s10 =	sadd.s32 @!p2 $0x2, s12  }
0x12f: {  	p1 =	sne.s32 s0, s1;
	p0 =	sge.u32 @!p2 s10, s30;
	_ =	swait.ge @!p2 [sflag:s9], $0x400  }
0x130: {  	s10 =	simm.s32 @!p2 $0x7;
	p3 =	por p0, p2;
	[sflag:s9] =	ssyncset.done @!p2 $0x0  }
0x131: {  	s11 =	simm.s32 @!p2 $0x14F00;
	[sflag:s9] =	ssyncadd.s32 @!p2 $0xFFFFFC00;
	s9 =	simm.s32 @!p2 $0x80  }
0x132: {  	[hbm4b:s8+s9] =	stream.indirect.scatter @!p2 [tilespmem:s11], [sflag:$0x7], $0x8, s16, s9, $0xb8;
	[tilespmem:$0x15700] =	vst v63  }
0x133: {  	_ =	swait.ge @!p2 [sflag:s10], $0x400  }
0x134: {  	s9 =	simm.s32 @!p3 $0x14F00;
	s11 =	sadd.s32 $0x1, s12;
	[sflag:s10] =	ssyncset.done @!p2 $0x0  }
0x135: {  	p0 =	sge.u32 s11, s30;
	[sflag:s10] =	ssyncadd.s32 @!p2 $0xFFFFFC00;
	s10 =	simm.s32 @!p3 $0x80  }
0x136: {  	[tilespmem:s9], [sflag:$0x5] =	stream.indirect.gather @!p3 [hbm4b:s6+s10], $0x8, s15, s10, $0xb8;
	[tilespmem:$0x15700] =	vst v63  }
0x137: {  	s9 =	simm.s32 @!p0 $0x6;
	s10 =	sadd.s32 @!p0 $0x3, s12;
	s15 =	sadd.s32 $0x100, s15  }
0x138: {  	s11 =	simm.s32 @!p0 $0x80;
	s12 =	simm.s32 @!p0 $0x15300;
	_ =	swait.ge @!p0 [sflag:s9], $0x400  }
.Ltmp12:
0x139: {  	s14 =	sadd.s32 @!p0 $0x80, s16;
	[sflag:s9] =	ssyncset.done @!p0 $0x0;
	(pc) =	sbr.rel @p1 .LBB2_15-.Ltmp12, $4  }
0x13a: {  	p2 =	sge.u32 @!p0 s10, s30;
	[sflag:s9] =	ssyncadd.s32 @!p0 $0xFFFFFC00;
	s9 =	simm.s32 @!p0 $0x7  }
0x13b: {  	[hbm4b:s8+s11] =	stream.indirect.scatter @!p0 [tilespmem:s12], [sflag:$0x7], $0x8, s14, s11, $0xb8;
	[tilespmem:$0x15700] =	vst v63  }
0x13c: {  	s16 =	sadd.s32 $0x100, s16;
	p3 =	por p2, p0;
	_ =	swait.ge @!p0 [sflag:s9], $0x400  }
0x13d: {  	s10 =	sadd.s32 @!p3 $0x80, s13;
	s11 =	simm.s32 @!p3 $0x15300;
	[sflag:s9] =	ssyncset.done @!p0 $0x0  }
.Ltmp13:
0x13e: {  	_ = 	snop;
	(pc) =	sbr.rel .LBB2_16-.Ltmp13, $1  }
0x13f: {  	_ =	sdelay $0x3  }
.LBB2_18:
0x140: {  	_ =	sfence.sel $0x180000  }
0x141: {  	[bflag:$0x0] =	sbarrier.arrive $0xFFFF  }
0x142: {  	_ =	strace $0x90000047  }
0x143: {  	s0 =	stileid.u32;
	[bflag:$0x2] =	sbarrier.arrive $0xFFFF  }
0x144: {  	p0 =	sne.s32 s0, $0x0;
	s0 =	rddreg [dreg:$0x3]  }
0x145: {  	s0 =	sadd.s32 @!p0 $0x100000, s0  }
0x146: {  	[sflag:s0] =	ssyncadd.tile.s32 @!p0 $0x1;
	_ =	shalt  }
.Lfunc_end2:
_tile_overlayer_lowered:
.L_overlay_start_2:
0x147: {  	(tag) =	ssettag $0x2  }
0x148: {  	s0 =	rddreg [dreg:$0x0];
	s2 =	stileid.u32  }
0x149: {  	s1 =	rddreg [dreg:$0x1];
	p0 =	sne.s32 s2, $0x0  }
0x14a: {  	s3 =	rddreg [dreg:$0x2];
	[bflag:$0x3] =	sbarrier.arrive $0xFFFF;
	s2 =	simm.s32 @!p0 $0x1C07  }
0x14b: {  	[timem:s3], [sflag:s2] =	dma.local @!p0 [hbm:s0], s1  }
0x14c: {  	s0 =	simm.s32 @!p0 $0x7  }
0x14d: {  	_ =	swait.ge @!p0 [sflag:s0], s1  }
0x14e: {  	s1 =	ssub.s32 @!p0 $0x0, s1;
	[sflag:s0] =	ssyncset.done @!p0 $0x0  }
0x14f: {  	[sflag:s0] =	ssyncadd.s32 @!p0 s1  }
0x150: {  	[bflag:$0x3] =	sbarrier.arrive $0xFFFF  }
0x151: {  	_ =	shalt  }

</sc_bundles>
